<compile_context>
chip_gen: v7x
topology: tpu7x:2x2x1
jax: 0.10.2.dev20260603
libtpu: 0.0.44.dev20260713+nightly
codegen_flags: <defaults>
</compile_context>

<pallas_src>
import functools

import jax
import jax.numpy as jnp
from jax import lax
from jax.experimental import pallas as pl
from jax.experimental.pallas import tpu as pltpu
from jax.experimental.pallas import tpu_sc as plsc

_EMB = 64
_ARITY = 6
_RELW = 896

_NC, _NS = 2, 16
_NW = _NC * _NS
_BPW = 128
_HIGH = jax.lax.Precision.DEFAULT


def _sc_gather(EP, relT, eidx, ridx):
    n_r = ridx.shape[0]
    mesh = plsc.VectorSubcoreMesh(core_axis_name="c", subcore_axis_name="s")

    @functools.partial(
        pl.kernel,
        mesh=mesh,
        out_type=(
            jax.ShapeDtypeStruct((n_r, _ARITY * 128), jnp.float32),
            jax.ShapeDtypeStruct((n_r, _RELW), jnp.float32),
        ),
        scratch_types=[
            pltpu.VMEM((_ARITY * _BPW,), jnp.int32),
            pltpu.VMEM((_BPW,), jnp.int32),
            pltpu.VMEM((2, _BPW, 128), jnp.float32),
            pltpu.VMEM((_BPW // 2, _RELW), jnp.float32),
            pltpu.SemaphoreType.DMA,
            pltpu.SemaphoreType.DMA,
            pltpu.SemaphoreType.DMA,
        ],
    )
    def k(EP_hbm, relT_hbm, eidx_hbm, ridx_hbm, emb_out, rel_out,
          eidx_v, ridx_v, emb_v, rel_v, sem0, sem1, sem_r):
        wid = lax.axis_index("s") * _NC + lax.axis_index("c")
        be = wid * _ARITY * _BPW
        br = wid * _BPW
        hb = _BPW // 2
        pltpu.sync_copy(eidx_hbm.at[pl.ds(be, _ARITY * _BPW)], eidx_v)
        pltpu.sync_copy(ridx_hbm.at[pl.ds(br, _BPW)], ridx_v)
        sems = (sem0, sem1)

        cp_r = pltpu.async_copy(relT_hbm.at[ridx_v.at[pl.ds(0, hb)]],
                                rel_v, sem_r)
        cps = [pltpu.async_copy(EP_hbm.at[eidx_v.at[pl.ds(a * _BPW, _BPW)]],
                                emb_v.at[a % 2], sems[a % 2])
               for a in range(2)]
        for a in range(_ARITY):
            cps[a % 2].wait()
            pltpu.sync_copy(
                emb_v.at[a % 2],
                emb_out.at[pl.ds(br, _BPW), pl.ds(a * 128, 128)])
            if a + 2 < _ARITY:
                cps[a % 2] = pltpu.async_copy(
                    EP_hbm.at[eidx_v.at[pl.ds((a + 2) * _BPW, _BPW)]],
                    emb_v.at[a % 2], sems[a % 2])
            if a == 0:
                cp_r.wait()
                pltpu.sync_copy(rel_v, rel_out.at[pl.ds(br, hb)])
                cp_r = pltpu.async_copy(relT_hbm.at[ridx_v.at[pl.ds(hb, hb)]],
                                        rel_v, sem_r)
        cp_r.wait()
        pltpu.sync_copy(rel_v, rel_out.at[pl.ds(br + hb, hb)])

    return k(EP, relT, eidx, ridx)


def _tc_body(emb_ref, rel_ref, out_ref):
    f32 = jnp.float32
    emb = emb_ref[...]
    rel = rel_ref[...]
    prod = emb * rel[:, : _ARITY * 128]
    tail = rel[:, _ARITY * 128 :]

    r = lax.broadcasted_iota(jnp.int32, (_ARITY * 128, 128), 0)
    c = lax.broadcasted_iota(jnp.int32, (_ARITY * 128, 128), 1)
    a = r // 128
    off = r % 128
    v = c // 8
    veven = v % 2 == 0
    active = (veven & (2 * a <= v)) | (~veven & (2 * a >= v + 1))
    M = jnp.where((off < 64) & (off % 8 == c % 8) & active & (v < 11),
                  1.0, 0.0).astype(f32)
    r2 = lax.broadcasted_iota(jnp.int32, (128, 128), 0)
    c2 = lax.broadcasted_iota(jnp.int32, (128, 128), 1)
    Mb = jnp.where((r2 < 8) & (r2 == c2 % 8) & (c2 < 88), 1.0, 0.0).astype(f32)
    x = jnp.tanh(jax.lax.dot(prod, M, precision=_HIGH,
                             preferred_element_type=f32)
                 + jax.lax.dot(tail, Mb, precision=_HIGH,
                               preferred_element_type=f32))

    W = jnp.where((r2 // 8 == c2) & (c2 < 11), 1.0, 0.0).astype(f32)
    s = jax.lax.dot(x, W, precision=_HIGH, preferred_element_type=f32)
    s = s + jnp.where(c2[:1, :] == 11, 1.0, 0.0).astype(f32)

    G = jnp.where((c2 % 2 == 0) & (r2 == 8 + c2 // 2) & (c2 < 12), 1.0,
                  0.0).astype(f32)
    wi = jax.lax.dot(tail, G, precision=_HIGH, preferred_element_type=f32)

    srot = jnp.concatenate([s[:, 1:], s[:, :1]], axis=1)
    out_ref[...] = jnp.sum(s * srot * wi, axis=1)


def _tc_compute(emb, rel):
    B = rel.shape[0]
    BT = 1024
    return pl.pallas_call(
        _tc_body,
        grid=(B // BT,),
        in_specs=[
            pl.BlockSpec((BT, _ARITY * 128), lambda i: (i, 0)),
            pl.BlockSpec((BT, _RELW), lambda i: (i, 0)),
        ],
        out_specs=pl.BlockSpec((BT,), lambda i: (i,)),
        out_shape=jax.ShapeDtypeStruct((B,), jnp.float32),
    )(emb, rel)


def kernel(r_idx, e1_idx, e2_idx, e3_idx, e4_idx, e5_idx, e6_idx,
           E_w, R_w, R_bias_w, Rw0, Rw1, Rw2, Rw3, Rw4, Rw5):
    B = r_idx.shape[0]
    nrel = R_w.shape[0]
    EP = jnp.concatenate([E_w, jnp.zeros_like(E_w)], axis=1)
    z64 = jnp.zeros((nrel, 64), jnp.float32)
    chunks = []
    for a_ in range(_ARITY):
        chunks += [R_w[:, a_ * 64 : (a_ + 1) * 64], z64]
    chunks += [R_bias_w, Rw0, Rw1, Rw2, Rw3, Rw4, Rw5,
               jnp.zeros((nrel, 114), jnp.float32)]
    relT = jnp.concatenate(chunks, axis=1)
    eidx = jnp.stack(
        [e1_idx, e2_idx, e3_idx, e4_idx, e5_idx, e6_idx], axis=0
    ).reshape(_ARITY, _NW, _BPW).transpose(1, 0, 2).reshape(-1).astype(jnp.int32)
    emb, rel = _sc_gather(EP, relT, eidx, r_idx.astype(jnp.int32))
    return _tc_compute(emb, rel)

# --- scband reference (transcript-rebuilt; emitter-appended) ---
"""Pipeline reference for scband-real-ev3-45208825757878 (READ-ONLY COPY).

The authoritative reference and input builder live on the scoring server;
editing this copy changes nothing except your own understanding.
"""

import jax, jax.numpy as jnp
import numpy as np

NUM_ENT = 1000000
NUM_REL = 1000
EMB_DIM = 64
MAX_ARITY = 6
W = 8
B_ = EMB_DIM // W  # 8
BATCH = 4096


def setup_inputs(seed: int = 0) -> dict:
    key = jax.random.key(seed)
    ks = jax.random.split(key, 16)
    inp = {}
    inp["r_idx"] = jax.random.randint(ks[0], (BATCH,), 0, NUM_REL)
    inp["e1_idx"] = jax.random.randint(ks[1], (BATCH,), 0, NUM_ENT)
    inp["e2_idx"] = jax.random.randint(ks[2], (BATCH,), 0, NUM_ENT)
    inp["e3_idx"] = jax.random.randint(ks[3], (BATCH,), 0, NUM_ENT)
    inp["e4_idx"] = jax.random.randint(ks[4], (BATCH,), 0, NUM_ENT)
    inp["e5_idx"] = jax.random.randint(ks[5], (BATCH,), 0, NUM_ENT)
    inp["e6_idx"] = jax.random.randint(ks[6], (BATCH,), 0, NUM_ENT)
    E = jax.random.normal(ks[7], (NUM_ENT, EMB_DIM), dtype=jnp.float32) * 0.02
    E = E.at[0].set(0.0)  # padding_idx=0
    inp["E_w"] = E
    R = jax.random.normal(ks[8], (NUM_REL, EMB_DIM * MAX_ARITY), dtype=jnp.float32) * 0.05
    R = R.at[0].set(0.0)
    inp["R_w"] = R
    Rb = jax.random.normal(ks[9], (NUM_REL, B_), dtype=jnp.float32) * 0.05
    Rb = Rb.at[0].set(0.0)
    inp["R_bias_w"] = Rb
    for i in range(6):
        w = jax.random.normal(ks[10 + i], (NUM_REL, 1), dtype=jnp.float32) * 0.05
        w = w.at[0].set(0.0)
        inp[f"Rw{i}"] = w
    return inp


def _forward_(E_w, R_w, R_bias_w, r, e1, e2, e3, e4, e5, e6):
    rr = jnp.take(R_w, r, axis=0).reshape(-1, MAX_ARITY, EMB_DIM)
    rb = jnp.take(R_bias_w, r, axis=0)
    embs = jnp.stack(
        [jnp.take(E_w, e, axis=0) for e in (e1, e2, e3, e4, e5, e6)], axis=1
    )
    # ent_non_linearity == 'none' -> identity
    rr = rr.reshape(rr.shape[0], MAX_ARITY, W, B_)
    embs = embs.reshape(embs.shape[0], MAX_ARITY, W, B_)
    # non_linearity == 'tanh'
    results = jnp.sum(jnp.tanh(jnp.sum(rr * embs, axis=(2, 1)) + rb), axis=1)
    return results


def reference(r_idx, e1_idx, e2_idx, e3_idx, e4_idx, e5_idx, e6_idx,
              E_w, R_w, R_bias_w, Rw0, Rw1, Rw2, Rw3, Rw4, Rw5):
    z = jnp.zeros_like(e1_idx)
    r = jnp.concatenate([r_idx] * 11, 0)
    e1 = jnp.concatenate([e1_idx, z, e1_idx, z, e1_idx, z, e1_idx, z, e1_idx, z, e1_idx], 0)
    e2 = jnp.concatenate([z, e2_idx, e2_idx, z, e2_idx, z, e2_idx, z, e2_idx, z, e2_idx], 0)
    e3 = jnp.concatenate([z, e3_idx, z, e3_idx, e3_idx, z, e3_idx, z, e3_idx, z, e3_idx], 0)
    e4 = jnp.concatenate([z, e4_idx, z, e4_idx, z, e4_idx, e4_idx, z, e4_idx, z, e4_idx], 0)
    e5 = jnp.concatenate([z, e5_idx, z, e5_idx, z, e5_idx, z, e5_idx, e5_idx, z, e5_idx], 0)
    e6 = jnp.concatenate([z, e6_idx, z, e6_idx, z, e6_idx, z, e6_idx, z, e6_idx, e6_idx], 0)
    scores = _forward_(E_w, R_w, R_bias_w, r, e1, e2, e3, e4, e5, e6)
    scores = scores.reshape(11, -1).T  # (BATCH, 11)
    out = (
        jnp.take(Rw0, r_idx, axis=0)[:, 0] * scores[:, 0] * scores[:, 1]
        + jnp.take(Rw1, r_idx, axis=0)[:, 0] * scores[:, 2] * scores[:, 3]
        + jnp.take(Rw2, r_idx, axis=0)[:, 0] * scores[:, 4] * scores[:, 5]
        + jnp.take(Rw3, r_idx, axis=0)[:, 0] * scores[:, 6] * scores[:, 7]
        + jnp.take(Rw4, r_idx, axis=0)[:, 0] * scores[:, 8] * scores[:, 9]
        + jnp.take(Rw5, r_idx, axis=0)[:, 0] * scores[:, 10]
    )
    return out

if __name__ == "__main__":
    import jax
    _d = setup_inputs()
    print(jax.jit(kernel)(*tuple(_d.values())))

</pallas_src>

<mosaic_0001>
#map = affine_map<(d0, d1) -> (0, 0)>
#map1 = affine_map<(d0, d1) -> (0)>
module attributes {stable_mosaic.version = 14 : i64} {
  func.func @k(%arg0: i32, %arg1: i32, %arg2: memref<1000000x128xf32, #tpu.memory_space<hbm>>, %arg3: memref<1000x896xf32, #tpu.memory_space<hbm>>, %arg4: memref<24576xi32, #tpu.memory_space<hbm>>, %arg5: memref<4096xi32, #tpu.memory_space<hbm>>, %arg6: memref<4096x768xf32, #tpu.memory_space<hbm>>, %arg7: memref<4096x896xf32, #tpu.memory_space<hbm>>, %arg8: memref<768xi32, #tpu.memory_space<vmem>>, %arg9: memref<128xi32, #tpu.memory_space<vmem>>, %arg10: memref<2x128x128xf32, #tpu.memory_space<vmem>>, %arg11: memref<64x896xf32, #tpu.memory_space<vmem>>, %arg12: memref<!tpu.dma_semaphore, #tpu.memory_space<semaphore_mem>>, %arg13: memref<!tpu.dma_semaphore, #tpu.memory_space<semaphore_mem>>, %arg14: memref<!tpu.dma_semaphore, #tpu.memory_space<semaphore_mem>>) attributes {dimension_semantics = [#tpu.dimension_semantics<core_parallel>, #tpu.dimension_semantics<subcore_parallel>], iteration_bounds = array<i64: 2, 16>, scalar_prefetch = 0 : i64, scratch_operands = 7 : i64, tpu.core_type = #tpu.core_type<sc_vector_subcore>, window_params = [{transform_indices = #map}, {transform_indices = #map}, {transform_indices = #map1}, {transform_indices = #map1}, {transform_indices = #map}, {transform_indices = #map}]} {
    %mul3A = arith.constant 2 : i32
    %mul3A_0 = arith.muli %arg1, %mul3A : i32
    %add3A = arith.addi %mul3A_0, %arg0 : i32
    %mul3A_1 = arith.constant 6 : i32
    %mul3A_2 = arith.muli %add3A, %mul3A_1 : i32
    %mul3A_3 = arith.constant 128 : i32
    %mul3A_4 = arith.muli %mul3A_2, %mul3A_3 : i32
    %mul3A_5 = arith.constant 128 : i32
    %mul3A_6 = arith.muli %add3A, %mul3A_5 : i32
    "tpu.region"() ({
      %run_scoped3A_152 = tpu.sem_alloc : memref<!tpu.dma_semaphore, #tpu.memory_space<semaphore_mem>>
      %dma_start3A_153 = tpu.memref_slice %arg4[%mul3A_4] : memref<24576xi32, #tpu.memory_space<hbm>> -> memref<768xi32, #tpu.memory_space<hbm>>
      %dma_start3A_154 = tpu.memref_slice %arg4[%mul3A_4] : memref<24576xi32, #tpu.memory_space<hbm>> -> memref<768xi32, #tpu.memory_space<hbm>>
      tpu.enqueue_dma source(%dma_start3A_154 : memref<768xi32, #tpu.memory_space<hbm>>) target(%arg8 : memref<768xi32, #tpu.memory_space<vmem>>) target_semaphore(%run_scoped3A_152 : memref<!tpu.dma_semaphore, #tpu.memory_space<semaphore_mem>>)
      %dma_wait3A_155 = tpu.memref_slice %arg4[%mul3A_4] : memref<24576xi32, #tpu.memory_space<hbm>> -> memref<768xi32, #tpu.memory_space<hbm>>
      %dma_wait3A_156 = tpu.memref_slice %arg4[%mul3A_4] : memref<24576xi32, #tpu.memory_space<hbm>> -> memref<768xi32, #tpu.memory_space<hbm>>
      tpu.wait_dma2 semaphore(%run_scoped3A_152 : memref<!tpu.dma_semaphore, #tpu.memory_space<semaphore_mem>>) src(%dma_wait3A_156 : memref<768xi32, #tpu.memory_space<hbm>>) dst(%arg8 : memref<768xi32, #tpu.memory_space<vmem>>)
      tpu.yield
    }) : () -> ()
    "tpu.region"() ({
      %run_scoped3A_152 = tpu.sem_alloc : memref<!tpu.dma_semaphore, #tpu.memory_space<semaphore_mem>>
      %dma_start3A_153 = tpu.memref_slice %arg5[%mul3A_6] : memref<4096xi32, #tpu.memory_space<hbm>> -> memref<128xi32, #tpu.memory_space<hbm>>
      %dma_start3A_154 = tpu.memref_slice %arg5[%mul3A_6] : memref<4096xi32, #tpu.memory_space<hbm>> -> memref<128xi32, #tpu.memory_space<hbm>>
      tpu.enqueue_dma source(%dma_start3A_154 : memref<128xi32, #tpu.memory_space<hbm>>) target(%arg9 : memref<128xi32, #tpu.memory_space<vmem>>) target_semaphore(%run_scoped3A_152 : memref<!tpu.dma_semaphore, #tpu.memory_space<semaphore_mem>>)
      %dma_wait3A_155 = tpu.memref_slice %arg5[%mul3A_6] : memref<4096xi32, #tpu.memory_space<hbm>> -> memref<128xi32, #tpu.memory_space<hbm>>
      %dma_wait3A_156 = tpu.memref_slice %arg5[%mul3A_6] : memref<4096xi32, #tpu.memory_space<hbm>> -> memref<128xi32, #tpu.memory_space<hbm>>
      tpu.wait_dma2 semaphore(%run_scoped3A_152 : memref<!tpu.dma_semaphore, #tpu.memory_space<semaphore_mem>>) src(%dma_wait3A_156 : memref<128xi32, #tpu.memory_space<hbm>>) dst(%arg9 : memref<128xi32, #tpu.memory_space<vmem>>)
      tpu.yield
    }) : () -> ()
    %dma_start3A = arith.constant 0 : i32
    %dma_start3A_7 = tpu.memref_slice %arg9[%dma_start3A] : memref<128xi32, #tpu.memory_space<vmem>> -> memref<64xi32, #tpu.memory_space<vmem>>
    %dma_start3A_8 = arith.constant 0 : i32
    %dma_start3A_9 = arith.constant 0 : i32
    %dma_start3A_10 = tpu.memref_slice %arg3[%dma_start3A_8, %dma_start3A_9] : memref<1000x896xf32, #tpu.memory_space<hbm>> -> memref<1000x896xf32, #tpu.memory_space<hbm>>
    tpu.enqueue_indirect_dma source(%dma_start3A_10 : memref<1000x896xf32, #tpu.memory_space<hbm>>) target(%arg11 : memref<64x896xf32, #tpu.memory_space<vmem>>) offsets(%dma_start3A_7 : memref<64xi32, #tpu.memory_space<vmem>>) semaphore(%arg14 : memref<!tpu.dma_semaphore, #tpu.memory_space<semaphore_mem>>)
    %dma_start3A_11 = arith.constant 0 : i32
    %dma_start3A_12 = arith.constant 0 : i32
    %dma_start3A_13 = arith.constant 0 : i32
    %dma_start3A_14 = tpu.memref_slice %arg10[%dma_start3A_11, %dma_start3A_12, %dma_start3A_13] : memref<2x128x128xf32, #tpu.memory_space<vmem>> -> memref<1x128x128xf32, #tpu.memory_space<vmem>>
    %dma_start3A_15 = tpu.memref_squeeze %dma_start3A_14 : memref<1x128x128xf32, #tpu.memory_space<vmem>> -> memref<128x128xf32, #tpu.memory_space<vmem>>
    %dma_start3A_16 = arith.constant 0 : i32
    %dma_start3A_17 = tpu.memref_slice %arg8[%dma_start3A_16] : memref<768xi32, #tpu.memory_space<vmem>> -> memref<128xi32, #tpu.memory_space<vmem>>
    %dma_start3A_18 = arith.constant 0 : i32
    %dma_start3A_19 = arith.constant 0 : i32
    %dma_start3A_20 = tpu.memref_slice %arg2[%dma_start3A_18, %dma_start3A_19] : memref<1000000x128xf32, #tpu.memory_space<hbm>> -> memref<1000000x128xf32, #tpu.memory_space<hbm>>
    tpu.enqueue_indirect_dma source(%dma_start3A_20 : memref<1000000x128xf32, #tpu.memory_space<hbm>>) target(%dma_start3A_15 : memref<128x128xf32, #tpu.memory_space<vmem>>) offsets(%dma_start3A_17 : memref<128xi32, #tpu.memory_space<vmem>>) semaphore(%arg12 : memref<!tpu.dma_semaphore, #tpu.memory_space<semaphore_mem>>)
    %dma_start3A_21 = arith.constant 1 : i32
    %dma_start3A_22 = arith.constant 0 : i32
    %dma_start3A_23 = arith.constant 0 : i32
    %dma_start3A_24 = tpu.memref_slice %arg10[%dma_start3A_21, %dma_start3A_22, %dma_start3A_23] : memref<2x128x128xf32, #tpu.memory_space<vmem>> -> memref<1x128x128xf32, #tpu.memory_space<vmem>>
    %dma_start3A_25 = tpu.memref_squeeze %dma_start3A_24 : memref<1x128x128xf32, #tpu.memory_space<vmem>> -> memref<128x128xf32, #tpu.memory_space<vmem>>
    %dma_start3A_26 = arith.constant 128 : i32
    %dma_start3A_27 = tpu.memref_slice %arg8[%dma_start3A_26] : memref<768xi32, #tpu.memory_space<vmem>> -> memref<128xi32, #tpu.memory_space<vmem>>
    %dma_start3A_28 = arith.constant 0 : i32
    %dma_start3A_29 = arith.constant 0 : i32
    %dma_start3A_30 = tpu.memref_slice %arg2[%dma_start3A_28, %dma_start3A_29] : memref<1000000x128xf32, #tpu.memory_space<hbm>> -> memref<1000000x128xf32, #tpu.memory_space<hbm>>
    tpu.enqueue_indirect_dma source(%dma_start3A_30 : memref<1000000x128xf32, #tpu.memory_space<hbm>>) target(%dma_start3A_25 : memref<128x128xf32, #tpu.memory_space<vmem>>) offsets(%dma_start3A_27 : memref<128xi32, #tpu.memory_space<vmem>>) semaphore(%arg13 : memref<!tpu.dma_semaphore, #tpu.memory_space<semaphore_mem>>)
    %dma_wait3A = arith.constant 0 : i32
    %dma_wait3A_31 = arith.constant 0 : i32
    %dma_wait3A_32 = arith.constant 0 : i32
    %dma_wait3A_33 = tpu.memref_slice %arg10[%dma_wait3A, %dma_wait3A_31, %dma_wait3A_32] : memref<2x128x128xf32, #tpu.memory_space<vmem>> -> memref<1x128x128xf32, #tpu.memory_space<vmem>>
    %dma_wait3A_34 = tpu.memref_squeeze %dma_wait3A_33 : memref<1x128x128xf32, #tpu.memory_space<vmem>> -> memref<128x128xf32, #tpu.memory_space<vmem>>
    %dma_wait3A_35 = arith.constant 0 : i32
    %dma_wait3A_36 = tpu.memref_slice %arg8[%dma_wait3A_35] : memref<768xi32, #tpu.memory_space<vmem>> -> memref<128xi32, #tpu.memory_space<vmem>>
    %dma_wait3A_37 = arith.constant 0 : i32
    %dma_wait3A_38 = arith.constant 0 : i32
    %dma_wait3A_39 = tpu.memref_slice %arg2[%dma_wait3A_37, %dma_wait3A_38] : memref<1000000x128xf32, #tpu.memory_space<hbm>> -> memref<1000000x128xf32, #tpu.memory_space<hbm>>
    tpu.wait_indirect_dma semaphore(%arg12 : memref<!tpu.dma_semaphore, #tpu.memory_space<semaphore_mem>>) src(%dma_wait3A_39 : memref<1000000x128xf32, #tpu.memory_space<hbm>>) dst(%dma_wait3A_34 : memref<128x128xf32, #tpu.memory_space<vmem>>)
    %run_scoped3A = arith.constant 0 : i32
    "tpu.region"() ({
      %run_scoped3A_152 = tpu.sem_alloc : memref<!tpu.dma_semaphore, #tpu.memory_space<semaphore_mem>>
      %dma_start3A_153 = arith.constant 0 : i32
      %dma_start3A_154 = arith.constant 0 : i32
      %dma_start3A_155 = tpu.memref_slice %arg10[%run_scoped3A, %dma_start3A_153, %dma_start3A_154] : memref<2x128x128xf32, #tpu.memory_space<vmem>> -> memref<1x128x128xf32, #tpu.memory_space<vmem>>
      %dma_start3A_156 = tpu.memref_squeeze %dma_start3A_155 : memref<1x128x128xf32, #tpu.memory_space<vmem>> -> memref<128x128xf32, #tpu.memory_space<vmem>>
      %dma_start3A_157 = arith.constant 0 : i32
      %dma_start3A_158 = tpu.memref_slice %arg6[%mul3A_6, %dma_start3A_157] : memref<4096x768xf32, #tpu.memory_space<hbm>> -> memref<128x128xf32, #tpu.memory_space<hbm>>
      %dma_start3A_159 = arith.constant 0 : i32
      %dma_start3A_160 = tpu.memref_slice %arg6[%mul3A_6, %dma_start3A_159] : memref<4096x768xf32, #tpu.memory_space<hbm>> -> memref<128x128xf32, #tpu.memory_space<hbm>>
      %dma_start3A_161 = arith.constant 0 : i32
      %dma_start3A_162 = arith.constant 0 : i32
      %dma_start3A_163 = tpu.memref_slice %arg10[%run_scoped3A, %dma_start3A_161, %dma_start3A_162] : memref<2x128x128xf32, #tpu.memory_space<vmem>> -> memref<1x128x128xf32, #tpu.memory_space<vmem>>
      %dma_start3A_164 = tpu.memref_squeeze %dma_start3A_163 : memref<1x128x128xf32, #tpu.memory_space<vmem>> -> memref<128x128xf32, #tpu.memory_space<vmem>>
      tpu.enqueue_dma source(%dma_start3A_164 : memref<128x128xf32, #tpu.memory_space<vmem>>) target(%dma_start3A_160 : memref<128x128xf32, #tpu.memory_space<hbm>>) target_semaphore(%run_scoped3A_152 : memref<!tpu.dma_semaphore, #tpu.memory_space<semaphore_mem>>)
      %dma_wait3A_165 = arith.constant 0 : i32
      %dma_wait3A_166 = arith.constant 0 : i32
      %dma_wait3A_167 = tpu.memref_slice %arg10[%run_scoped3A, %dma_wait3A_165, %dma_wait3A_166] : memref<2x128x128xf32, #tpu.memory_space<vmem>> -> memref<1x128x128xf32, #tpu.memory_space<vmem>>
      %dma_wait3A_168 = tpu.memref_squeeze %dma_wait3A_167 : memref<1x128x128xf32, #tpu.memory_space<vmem>> -> memref<128x128xf32, #tpu.memory_space<vmem>>
      %dma_wait3A_169 = arith.constant 0 : i32
      %dma_wait3A_170 = tpu.memref_slice %arg6[%mul3A_6, %dma_wait3A_169] : memref<4096x768xf32, #tpu.memory_space<hbm>> -> memref<128x128xf32, #tpu.memory_space<hbm>>
      %dma_wait3A_171 = arith.constant 0 : i32
      %dma_wait3A_172 = tpu.memref_slice %arg6[%mul3A_6, %dma_wait3A_171] : memref<4096x768xf32, #tpu.memory_space<hbm>> -> memref<128x128xf32, #tpu.memory_space<hbm>>
      %dma_wait3A_173 = arith.constant 0 : i32
      %dma_wait3A_174 = arith.constant 0 : i32
      %dma_wait3A_175 = tpu.memref_slice %arg10[%run_scoped3A, %dma_wait3A_173, %dma_wait3A_174] : memref<2x128x128xf32, #tpu.memory_space<vmem>> -> memref<1x128x128xf32, #tpu.memory_space<vmem>>
      %dma_wait3A_176 = tpu.memref_squeeze %dma_wait3A_175 : memref<1x128x128xf32, #tpu.memory_space<vmem>> -> memref<128x128xf32, #tpu.memory_space<vmem>>
      tpu.wait_dma2 semaphore(%run_scoped3A_152 : memref<!tpu.dma_semaphore, #tpu.memory_space<semaphore_mem>>) src(%dma_wait3A_176 : memref<128x128xf32, #tpu.memory_space<vmem>>) dst(%dma_wait3A_172 : memref<128x128xf32, #tpu.memory_space<hbm>>)
      tpu.yield
    }) : () -> ()
    %dma_start3A_40 = arith.constant 0 : i32
    %dma_start3A_41 = arith.constant 0 : i32
    %dma_start3A_42 = arith.constant 0 : i32
    %dma_start3A_43 = tpu.memref_slice %arg10[%dma_start3A_40, %dma_start3A_41, %dma_start3A_42] : memref<2x128x128xf32, #tpu.memory_space<vmem>> -> memref<1x128x128xf32, #tpu.memory_space<vmem>>
    %dma_start3A_44 = tpu.memref_squeeze %dma_start3A_43 : memref<1x128x128xf32, #tpu.memory_space<vmem>> -> memref<128x128xf32, #tpu.memory_space<vmem>>
    %dma_start3A_45 = arith.constant 256 : i32
    %dma_start3A_46 = tpu.memref_slice %arg8[%dma_start3A_45] : memref<768xi32, #tpu.memory_space<vmem>> -> memref<128xi32, #tpu.memory_space<vmem>>
    %dma_start3A_47 = arith.constant 0 : i32
    %dma_start3A_48 = arith.constant 0 : i32
    %dma_start3A_49 = tpu.memref_slice %arg2[%dma_start3A_47, %dma_start3A_48] : memref<1000000x128xf32, #tpu.memory_space<hbm>> -> memref<1000000x128xf32, #tpu.memory_space<hbm>>
    tpu.enqueue_indirect_dma source(%dma_start3A_49 : memref<1000000x128xf32, #tpu.memory_space<hbm>>) target(%dma_start3A_44 : memref<128x128xf32, #tpu.memory_space<vmem>>) offsets(%dma_start3A_46 : memref<128xi32, #tpu.memory_space<vmem>>) semaphore(%arg12 : memref<!tpu.dma_semaphore, #tpu.memory_space<semaphore_mem>>)
    %dma_wait3A_50 = arith.constant 0 : i32
    %dma_wait3A_51 = tpu.memref_slice %arg9[%dma_wait3A_50] : memref<128xi32, #tpu.memory_space<vmem>> -> memref<64xi32, #tpu.memory_space<vmem>>
    %dma_wait3A_52 = arith.constant 0 : i32
    %dma_wait3A_53 = arith.constant 0 : i32
    %dma_wait3A_54 = tpu.memref_slice %arg3[%dma_wait3A_52, %dma_wait3A_53] : memref<1000x896xf32, #tpu.memory_space<hbm>> -> memref<1000x896xf32, #tpu.memory_space<hbm>>
    tpu.wait_indirect_dma semaphore(%arg14 : memref<!tpu.dma_semaphore, #tpu.memory_space<semaphore_mem>>) src(%dma_wait3A_54 : memref<1000x896xf32, #tpu.memory_space<hbm>>) dst(%arg11 : memref<64x896xf32, #tpu.memory_space<vmem>>)
    "tpu.region"() ({
      %run_scoped3A_152 = tpu.sem_alloc : memref<!tpu.dma_semaphore, #tpu.memory_space<semaphore_mem>>
      %dma_start3A_153 = arith.constant 0 : i32
      %dma_start3A_154 = tpu.memref_slice %arg7[%mul3A_6, %dma_start3A_153] : memref<4096x896xf32, #tpu.memory_space<hbm>> -> memref<64x896xf32, #tpu.memory_space<hbm>>
      %dma_start3A_155 = arith.constant 0 : i32
      %dma_start3A_156 = tpu.memref_slice %arg7[%mul3A_6, %dma_start3A_155] : memref<4096x896xf32, #tpu.memory_space<hbm>> -> memref<64x896xf32, #tpu.memory_space<hbm>>
      tpu.enqueue_dma source(%arg11 : memref<64x896xf32, #tpu.memory_space<vmem>>) target(%dma_start3A_156 : memref<64x896xf32, #tpu.memory_space<hbm>>) target_semaphore(%run_scoped3A_152 : memref<!tpu.dma_semaphore, #tpu.memory_space<semaphore_mem>>)
      %dma_wait3A_157 = arith.constant 0 : i32
      %dma_wait3A_158 = tpu.memref_slice %arg7[%mul3A_6, %dma_wait3A_157] : memref<4096x896xf32, #tpu.memory_space<hbm>> -> memref<64x896xf32, #tpu.memory_space<hbm>>
      %dma_wait3A_159 = arith.constant 0 : i32
      %dma_wait3A_160 = tpu.memref_slice %arg7[%mul3A_6, %dma_wait3A_159] : memref<4096x896xf32, #tpu.memory_space<hbm>> -> memref<64x896xf32, #tpu.memory_space<hbm>>
      tpu.wait_dma2 semaphore(%run_scoped3A_152 : memref<!tpu.dma_semaphore, #tpu.memory_space<semaphore_mem>>) src(%arg11 : memref<64x896xf32, #tpu.memory_space<vmem>>) dst(%dma_wait3A_160 : memref<64x896xf32, #tpu.memory_space<hbm>>)
      tpu.yield
    }) : () -> ()
    %dma_start3A_55 = arith.constant 64 : i32
    %dma_start3A_56 = tpu.memref_slice %arg9[%dma_start3A_55] : memref<128xi32, #tpu.memory_space<vmem>> -> memref<64xi32, #tpu.memory_space<vmem>>
    %dma_start3A_57 = arith.constant 0 : i32
    %dma_start3A_58 = arith.constant 0 : i32
    %dma_start3A_59 = tpu.memref_slice %arg3[%dma_start3A_57, %dma_start3A_58] : memref<1000x896xf32, #tpu.memory_space<hbm>> -> memref<1000x896xf32, #tpu.memory_space<hbm>>
    tpu.enqueue_indirect_dma source(%dma_start3A_59 : memref<1000x896xf32, #tpu.memory_space<hbm>>) target(%arg11 : memref<64x896xf32, #tpu.memory_space<vmem>>) offsets(%dma_start3A_56 : memref<64xi32, #tpu.memory_space<vmem>>) semaphore(%arg14 : memref<!tpu.dma_semaphore, #tpu.memory_space<semaphore_mem>>)
    %dma_wait3A_60 = arith.constant 1 : i32
    %dma_wait3A_61 = arith.constant 0 : i32
    %dma_wait3A_62 = arith.constant 0 : i32
    %dma_wait3A_63 = tpu.memref_slice %arg10[%dma_wait3A_60, %dma_wait3A_61, %dma_wait3A_62] : memref<2x128x128xf32, #tpu.memory_space<vmem>> -> memref<1x128x128xf32, #tpu.memory_space<vmem>>
    %dma_wait3A_64 = tpu.memref_squeeze %dma_wait3A_63 : memref<1x128x128xf32, #tpu.memory_space<vmem>> -> memref<128x128xf32, #tpu.memory_space<vmem>>
    %dma_wait3A_65 = arith.constant 128 : i32
    %dma_wait3A_66 = tpu.memref_slice %arg8[%dma_wait3A_65] : memref<768xi32, #tpu.memory_space<vmem>> -> memref<128xi32, #tpu.memory_space<vmem>>
    %dma_wait3A_67 = arith.constant 0 : i32
    %dma_wait3A_68 = arith.constant 0 : i32
    %dma_wait3A_69 = tpu.memref_slice %arg2[%dma_wait3A_67, %dma_wait3A_68] : memref<1000000x128xf32, #tpu.memory_space<hbm>> -> memref<1000000x128xf32, #tpu.memory_space<hbm>>
    tpu.wait_indirect_dma semaphore(%arg13 : memref<!tpu.dma_semaphore, #tpu.memory_space<semaphore_mem>>) src(%dma_wait3A_69 : memref<1000000x128xf32, #tpu.memory_space<hbm>>) dst(%dma_wait3A_64 : memref<128x128xf32, #tpu.memory_space<vmem>>)
    %run_scoped3A_70 = arith.constant 1 : i32
    "tpu.region"() ({
      %run_scoped3A_152 = tpu.sem_alloc : memref<!tpu.dma_semaphore, #tpu.memory_space<semaphore_mem>>
      %dma_start3A_153 = arith.constant 0 : i32
      %dma_start3A_154 = arith.constant 0 : i32
      %dma_start3A_155 = tpu.memref_slice %arg10[%run_scoped3A_70, %dma_start3A_153, %dma_start3A_154] : memref<2x128x128xf32, #tpu.memory_space<vmem>> -> memref<1x128x128xf32, #tpu.memory_space<vmem>>
      %dma_start3A_156 = tpu.memref_squeeze %dma_start3A_155 : memref<1x128x128xf32, #tpu.memory_space<vmem>> -> memref<128x128xf32, #tpu.memory_space<vmem>>
      %dma_start3A_157 = arith.constant 128 : i32
      %dma_start3A_158 = tpu.memref_slice %arg6[%mul3A_6, %dma_start3A_157] : memref<4096x768xf32, #tpu.memory_space<hbm>> -> memref<128x128xf32, #tpu.memory_space<hbm>>
      %dma_start3A_159 = arith.constant 128 : i32
      %dma_start3A_160 = tpu.memref_slice %arg6[%mul3A_6, %dma_start3A_159] : memref<4096x768xf32, #tpu.memory_space<hbm>> -> memref<128x128xf32, #tpu.memory_space<hbm>>
      %dma_start3A_161 = arith.constant 0 : i32
      %dma_start3A_162 = arith.constant 0 : i32
      %dma_start3A_163 = tpu.memref_slice %arg10[%run_scoped3A_70, %dma_start3A_161, %dma_start3A_162] : memref<2x128x128xf32, #tpu.memory_space<vmem>> -> memref<1x128x128xf32, #tpu.memory_space<vmem>>
      %dma_start3A_164 = tpu.memref_squeeze %dma_start3A_163 : memref<1x128x128xf32, #tpu.memory_space<vmem>> -> memref<128x128xf32, #tpu.memory_space<vmem>>
      tpu.enqueue_dma source(%dma_start3A_164 : memref<128x128xf32, #tpu.memory_space<vmem>>) target(%dma_start3A_160 : memref<128x128xf32, #tpu.memory_space<hbm>>) target_semaphore(%run_scoped3A_152 : memref<!tpu.dma_semaphore, #tpu.memory_space<semaphore_mem>>)
      %dma_wait3A_165 = arith.constant 0 : i32
      %dma_wait3A_166 = arith.constant 0 : i32
      %dma_wait3A_167 = tpu.memref_slice %arg10[%run_scoped3A_70, %dma_wait3A_165, %dma_wait3A_166] : memref<2x128x128xf32, #tpu.memory_space<vmem>> -> memref<1x128x128xf32, #tpu.memory_space<vmem>>
      %dma_wait3A_168 = tpu.memref_squeeze %dma_wait3A_167 : memref<1x128x128xf32, #tpu.memory_space<vmem>> -> memref<128x128xf32, #tpu.memory_space<vmem>>
      %dma_wait3A_169 = arith.constant 128 : i32
      %dma_wait3A_170 = tpu.memref_slice %arg6[%mul3A_6, %dma_wait3A_169] : memref<4096x768xf32, #tpu.memory_space<hbm>> -> memref<128x128xf32, #tpu.memory_space<hbm>>
      %dma_wait3A_171 = arith.constant 128 : i32
      %dma_wait3A_172 = tpu.memref_slice %arg6[%mul3A_6, %dma_wait3A_171] : memref<4096x768xf32, #tpu.memory_space<hbm>> -> memref<128x128xf32, #tpu.memory_space<hbm>>
      %dma_wait3A_173 = arith.constant 0 : i32
      %dma_wait3A_174 = arith.constant 0 : i32
      %dma_wait3A_175 = tpu.memref_slice %arg10[%run_scoped3A_70, %dma_wait3A_173, %dma_wait3A_174] : memref<2x128x128xf32, #tpu.memory_space<vmem>> -> memref<1x128x128xf32, #tpu.memory_space<vmem>>
      %dma_wait3A_176 = tpu.memref_squeeze %dma_wait3A_175 : memref<1x128x128xf32, #tpu.memory_space<vmem>> -> memref<128x128xf32, #tpu.memory_space<vmem>>
      tpu.wait_dma2 semaphore(%run_scoped3A_152 : memref<!tpu.dma_semaphore, #tpu.memory_space<semaphore_mem>>) src(%dma_wait3A_176 : memref<128x128xf32, #tpu.memory_space<vmem>>) dst(%dma_wait3A_172 : memref<128x128xf32, #tpu.memory_space<hbm>>)
      tpu.yield
    }) : () -> ()
    %dma_start3A_71 = arith.constant 1 : i32
    %dma_start3A_72 = arith.constant 0 : i32
    %dma_start3A_73 = arith.constant 0 : i32
    %dma_start3A_74 = tpu.memref_slice %arg10[%dma_start3A_71, %dma_start3A_72, %dma_start3A_73] : memref<2x128x128xf32, #tpu.memory_space<vmem>> -> memref<1x128x128xf32, #tpu.memory_space<vmem>>
    %dma_start3A_75 = tpu.memref_squeeze %dma_start3A_74 : memref<1x128x128xf32, #tpu.memory_space<vmem>> -> memref<128x128xf32, #tpu.memory_space<vmem>>
    %dma_start3A_76 = arith.constant 384 : i32
    %dma_start3A_77 = tpu.memref_slice %arg8[%dma_start3A_76] : memref<768xi32, #tpu.memory_space<vmem>> -> memref<128xi32, #tpu.memory_space<vmem>>
    %dma_start3A_78 = arith.constant 0 : i32
    %dma_start3A_79 = arith.constant 0 : i32
    %dma_start3A_80 = tpu.memref_slice %arg2[%dma_start3A_78, %dma_start3A_79] : memref<1000000x128xf32, #tpu.memory_space<hbm>> -> memref<1000000x128xf32, #tpu.memory_space<hbm>>
    tpu.enqueue_indirect_dma source(%dma_start3A_80 : memref<1000000x128xf32, #tpu.memory_space<hbm>>) target(%dma_start3A_75 : memref<128x128xf32, #tpu.memory_space<vmem>>) offsets(%dma_start3A_77 : memref<128xi32, #tpu.memory_space<vmem>>) semaphore(%arg13 : memref<!tpu.dma_semaphore, #tpu.memory_space<semaphore_mem>>)
    %dma_wait3A_81 = arith.constant 0 : i32
    %dma_wait3A_82 = arith.constant 0 : i32
    %dma_wait3A_83 = arith.constant 0 : i32
    %dma_wait3A_84 = tpu.memref_slice %arg10[%dma_wait3A_81, %dma_wait3A_82, %dma_wait3A_83] : memref<2x128x128xf32, #tpu.memory_space<vmem>> -> memref<1x128x128xf32, #tpu.memory_space<vmem>>
    %dma_wait3A_85 = tpu.memref_squeeze %dma_wait3A_84 : memref<1x128x128xf32, #tpu.memory_space<vmem>> -> memref<128x128xf32, #tpu.memory_space<vmem>>
    %dma_wait3A_86 = arith.constant 256 : i32
    %dma_wait3A_87 = tpu.memref_slice %arg8[%dma_wait3A_86] : memref<768xi32, #tpu.memory_space<vmem>> -> memref<128xi32, #tpu.memory_space<vmem>>
    %dma_wait3A_88 = arith.constant 0 : i32
    %dma_wait3A_89 = arith.constant 0 : i32
    %dma_wait3A_90 = tpu.memref_slice %arg2[%dma_wait3A_88, %dma_wait3A_89] : memref<1000000x128xf32, #tpu.memory_space<hbm>> -> memref<1000000x128xf32, #tpu.memory_space<hbm>>
    tpu.wait_indirect_dma semaphore(%arg12 : memref<!tpu.dma_semaphore, #tpu.memory_space<semaphore_mem>>) src(%dma_wait3A_90 : memref<1000000x128xf32, #tpu.memory_space<hbm>>) dst(%dma_wait3A_85 : memref<128x128xf32, #tpu.memory_space<vmem>>)
    %run_scoped3A_91 = arith.constant 0 : i32
    "tpu.region"() ({
      %run_scoped3A_152 = tpu.sem_alloc : memref<!tpu.dma_semaphore, #tpu.memory_space<semaphore_mem>>
      %dma_start3A_153 = arith.constant 0 : i32
      %dma_start3A_154 = arith.constant 0 : i32
      %dma_start3A_155 = tpu.memref_slice %arg10[%run_scoped3A_91, %dma_start3A_153, %dma_start3A_154] : memref<2x128x128xf32, #tpu.memory_space<vmem>> -> memref<1x128x128xf32, #tpu.memory_space<vmem>>
      %dma_start3A_156 = tpu.memref_squeeze %dma_start3A_155 : memref<1x128x128xf32, #tpu.memory_space<vmem>> -> memref<128x128xf32, #tpu.memory_space<vmem>>
      %dma_start3A_157 = arith.constant 256 : i32
      %dma_start3A_158 = tpu.memref_slice %arg6[%mul3A_6, %dma_start3A_157] : memref<4096x768xf32, #tpu.memory_space<hbm>> -> memref<128x128xf32, #tpu.memory_space<hbm>>
      %dma_start3A_159 = arith.constant 256 : i32
      %dma_start3A_160 = tpu.memref_slice %arg6[%mul3A_6, %dma_start3A_159] : memref<4096x768xf32, #tpu.memory_space<hbm>> -> memref<128x128xf32, #tpu.memory_space<hbm>>
      %dma_start3A_161 = arith.constant 0 : i32
      %dma_start3A_162 = arith.constant 0 : i32
      %dma_start3A_163 = tpu.memref_slice %arg10[%run_scoped3A_91, %dma_start3A_161, %dma_start3A_162] : memref<2x128x128xf32, #tpu.memory_space<vmem>> -> memref<1x128x128xf32, #tpu.memory_space<vmem>>
      %dma_start3A_164 = tpu.memref_squeeze %dma_start3A_163 : memref<1x128x128xf32, #tpu.memory_space<vmem>> -> memref<128x128xf32, #tpu.memory_space<vmem>>
      tpu.enqueue_dma source(%dma_start3A_164 : memref<128x128xf32, #tpu.memory_space<vmem>>) target(%dma_start3A_160 : memref<128x128xf32, #tpu.memory_space<hbm>>) target_semaphore(%run_scoped3A_152 : memref<!tpu.dma_semaphore, #tpu.memory_space<semaphore_mem>>)
      %dma_wait3A_165 = arith.constant 0 : i32
      %dma_wait3A_166 = arith.constant 0 : i32
      %dma_wait3A_167 = tpu.memref_slice %arg10[%run_scoped3A_91, %dma_wait3A_165, %dma_wait3A_166] : memref<2x128x128xf32, #tpu.memory_space<vmem>> -> memref<1x128x128xf32, #tpu.memory_space<vmem>>
      %dma_wait3A_168 = tpu.memref_squeeze %dma_wait3A_167 : memref<1x128x128xf32, #tpu.memory_space<vmem>> -> memref<128x128xf32, #tpu.memory_space<vmem>>
      %dma_wait3A_169 = arith.constant 256 : i32
      %dma_wait3A_170 = tpu.memref_slice %arg6[%mul3A_6, %dma_wait3A_169] : memref<4096x768xf32, #tpu.memory_space<hbm>> -> memref<128x128xf32, #tpu.memory_space<hbm>>
      %dma_wait3A_171 = arith.constant 256 : i32
      %dma_wait3A_172 = tpu.memref_slice %arg6[%mul3A_6, %dma_wait3A_171] : memref<4096x768xf32, #tpu.memory_space<hbm>> -> memref<128x128xf32, #tpu.memory_space<hbm>>
      %dma_wait3A_173 = arith.constant 0 : i32
      %dma_wait3A_174 = arith.constant 0 : i32
      %dma_wait3A_175 = tpu.memref_slice %arg10[%run_scoped3A_91, %dma_wait3A_173, %dma_wait3A_174] : memref<2x128x128xf32, #tpu.memory_space<vmem>> -> memref<1x128x128xf32, #tpu.memory_space<vmem>>
      %dma_wait3A_176 = tpu.memref_squeeze %dma_wait3A_175 : memref<1x128x128xf32, #tpu.memory_space<vmem>> -> memref<128x128xf32, #tpu.memory_space<vmem>>
      tpu.wait_dma2 semaphore(%run_scoped3A_152 : memref<!tpu.dma_semaphore, #tpu.memory_space<semaphore_mem>>) src(%dma_wait3A_176 : memref<128x128xf32, #tpu.memory_space<vmem>>) dst(%dma_wait3A_172 : memref<128x128xf32, #tpu.memory_space<hbm>>)
      tpu.yield
    }) : () -> ()
    %dma_start3A_92 = arith.constant 0 : i32
    %dma_start3A_93 = arith.constant 0 : i32
    %dma_start3A_94 = arith.constant 0 : i32
    %dma_start3A_95 = tpu.memref_slice %arg10[%dma_start3A_92, %dma_start3A_93, %dma_start3A_94] : memref<2x128x128xf32, #tpu.memory_space<vmem>> -> memref<1x128x128xf32, #tpu.memory_space<vmem>>
    %dma_start3A_96 = tpu.memref_squeeze %dma_start3A_95 : memref<1x128x128xf32, #tpu.memory_space<vmem>> -> memref<128x128xf32, #tpu.memory_space<vmem>>
    %dma_start3A_97 = arith.constant 512 : i32
    %dma_start3A_98 = tpu.memref_slice %arg8[%dma_start3A_97] : memref<768xi32, #tpu.memory_space<vmem>> -> memref<128xi32, #tpu.memory_space<vmem>>
    %dma_start3A_99 = arith.constant 0 : i32
    %dma_start3A_100 = arith.constant 0 : i32
    %dma_start3A_101 = tpu.memref_slice %arg2[%dma_start3A_99, %dma_start3A_100] : memref<1000000x128xf32, #tpu.memory_space<hbm>> -> memref<1000000x128xf32, #tpu.memory_space<hbm>>
    tpu.enqueue_indirect_dma source(%dma_start3A_101 : memref<1000000x128xf32, #tpu.memory_space<hbm>>) target(%dma_start3A_96 : memref<128x128xf32, #tpu.memory_space<vmem>>) offsets(%dma_start3A_98 : memref<128xi32, #tpu.memory_space<vmem>>) semaphore(%arg12 : memref<!tpu.dma_semaphore, #tpu.memory_space<semaphore_mem>>)
    %dma_wait3A_102 = arith.constant 1 : i32
    %dma_wait3A_103 = arith.constant 0 : i32
    %dma_wait3A_104 = arith.constant 0 : i32
    %dma_wait3A_105 = tpu.memref_slice %arg10[%dma_wait3A_102, %dma_wait3A_103, %dma_wait3A_104] : memref<2x128x128xf32, #tpu.memory_space<vmem>> -> memref<1x128x128xf32, #tpu.memory_space<vmem>>
    %dma_wait3A_106 = tpu.memref_squeeze %dma_wait3A_105 : memref<1x128x128xf32, #tpu.memory_space<vmem>> -> memref<128x128xf32, #tpu.memory_space<vmem>>
    %dma_wait3A_107 = arith.constant 384 : i32
    %dma_wait3A_108 = tpu.memref_slice %arg8[%dma_wait3A_107] : memref<768xi32, #tpu.memory_space<vmem>> -> memref<128xi32, #tpu.memory_space<vmem>>
    %dma_wait3A_109 = arith.constant 0 : i32
    %dma_wait3A_110 = arith.constant 0 : i32
    %dma_wait3A_111 = tpu.memref_slice %arg2[%dma_wait3A_109, %dma_wait3A_110] : memref<1000000x128xf32, #tpu.memory_space<hbm>> -> memref<1000000x128xf32, #tpu.memory_space<hbm>>
    tpu.wait_indirect_dma semaphore(%arg13 : memref<!tpu.dma_semaphore, #tpu.memory_space<semaphore_mem>>) src(%dma_wait3A_111 : memref<1000000x128xf32, #tpu.memory_space<hbm>>) dst(%dma_wait3A_106 : memref<128x128xf32, #tpu.memory_space<vmem>>)
    %run_scoped3A_112 = arith.constant 1 : i32
    "tpu.region"() ({
      %run_scoped3A_152 = tpu.sem_alloc : memref<!tpu.dma_semaphore, #tpu.memory_space<semaphore_mem>>
      %dma_start3A_153 = arith.constant 0 : i32
      %dma_start3A_154 = arith.constant 0 : i32
      %dma_start3A_155 = tpu.memref_slice %arg10[%run_scoped3A_112, %dma_start3A_153, %dma_start3A_154] : memref<2x128x128xf32, #tpu.memory_space<vmem>> -> memref<1x128x128xf32, #tpu.memory_space<vmem>>
      %dma_start3A_156 = tpu.memref_squeeze %dma_start3A_155 : memref<1x128x128xf32, #tpu.memory_space<vmem>> -> memref<128x128xf32, #tpu.memory_space<vmem>>
      %dma_start3A_157 = arith.constant 384 : i32
      %dma_start3A_158 = tpu.memref_slice %arg6[%mul3A_6, %dma_start3A_157] : memref<4096x768xf32, #tpu.memory_space<hbm>> -> memref<128x128xf32, #tpu.memory_space<hbm>>
      %dma_start3A_159 = arith.constant 384 : i32
      %dma_start3A_160 = tpu.memref_slice %arg6[%mul3A_6, %dma_start3A_159] : memref<4096x768xf32, #tpu.memory_space<hbm>> -> memref<128x128xf32, #tpu.memory_space<hbm>>
      %dma_start3A_161 = arith.constant 0 : i32
      %dma_start3A_162 = arith.constant 0 : i32
      %dma_start3A_163 = tpu.memref_slice %arg10[%run_scoped3A_112, %dma_start3A_161, %dma_start3A_162] : memref<2x128x128xf32, #tpu.memory_space<vmem>> -> memref<1x128x128xf32, #tpu.memory_space<vmem>>
      %dma_start3A_164 = tpu.memref_squeeze %dma_start3A_163 : memref<1x128x128xf32, #tpu.memory_space<vmem>> -> memref<128x128xf32, #tpu.memory_space<vmem>>
      tpu.enqueue_dma source(%dma_start3A_164 : memref<128x128xf32, #tpu.memory_space<vmem>>) target(%dma_start3A_160 : memref<128x128xf32, #tpu.memory_space<hbm>>) target_semaphore(%run_scoped3A_152 : memref<!tpu.dma_semaphore, #tpu.memory_space<semaphore_mem>>)
      %dma_wait3A_165 = arith.constant 0 : i32
      %dma_wait3A_166 = arith.constant 0 : i32
      %dma_wait3A_167 = tpu.memref_slice %arg10[%run_scoped3A_112, %dma_wait3A_165, %dma_wait3A_166] : memref<2x128x128xf32, #tpu.memory_space<vmem>> -> memref<1x128x128xf32, #tpu.memory_space<vmem>>
      %dma_wait3A_168 = tpu.memref_squeeze %dma_wait3A_167 : memref<1x128x128xf32, #tpu.memory_space<vmem>> -> memref<128x128xf32, #tpu.memory_space<vmem>>
      %dma_wait3A_169 = arith.constant 384 : i32
      %dma_wait3A_170 = tpu.memref_slice %arg6[%mul3A_6, %dma_wait3A_169] : memref<4096x768xf32, #tpu.memory_space<hbm>> -> memref<128x128xf32, #tpu.memory_space<hbm>>
      %dma_wait3A_171 = arith.constant 384 : i32
      %dma_wait3A_172 = tpu.memref_slice %arg6[%mul3A_6, %dma_wait3A_171] : memref<4096x768xf32, #tpu.memory_space<hbm>> -> memref<128x128xf32, #tpu.memory_space<hbm>>
      %dma_wait3A_173 = arith.constant 0 : i32
      %dma_wait3A_174 = arith.constant 0 : i32
      %dma_wait3A_175 = tpu.memref_slice %arg10[%run_scoped3A_112, %dma_wait3A_173, %dma_wait3A_174] : memref<2x128x128xf32, #tpu.memory_space<vmem>> -> memref<1x128x128xf32, #tpu.memory_space<vmem>>
      %dma_wait3A_176 = tpu.memref_squeeze %dma_wait3A_175 : memref<1x128x128xf32, #tpu.memory_space<vmem>> -> memref<128x128xf32, #tpu.memory_space<vmem>>
      tpu.wait_dma2 semaphore(%run_scoped3A_152 : memref<!tpu.dma_semaphore, #tpu.memory_space<semaphore_mem>>) src(%dma_wait3A_176 : memref<128x128xf32, #tpu.memory_space<vmem>>) dst(%dma_wait3A_172 : memref<128x128xf32, #tpu.memory_space<hbm>>)
      tpu.yield
    }) : () -> ()
    %dma_start3A_113 = arith.constant 1 : i32
    %dma_start3A_114 = arith.constant 0 : i32
    %dma_start3A_115 = arith.constant 0 : i32
    %dma_start3A_116 = tpu.memref_slice %arg10[%dma_start3A_113, %dma_start3A_114, %dma_start3A_115] : memref<2x128x128xf32, #tpu.memory_space<vmem>> -> memref<1x128x128xf32, #tpu.memory_space<vmem>>
    %dma_start3A_117 = tpu.memref_squeeze %dma_start3A_116 : memref<1x128x128xf32, #tpu.memory_space<vmem>> -> memref<128x128xf32, #tpu.memory_space<vmem>>
    %dma_start3A_118 = arith.constant 640 : i32
    %dma_start3A_119 = tpu.memref_slice %arg8[%dma_start3A_118] : memref<768xi32, #tpu.memory_space<vmem>> -> memref<128xi32, #tpu.memory_space<vmem>>
    %dma_start3A_120 = arith.constant 0 : i32
    %dma_start3A_121 = arith.constant 0 : i32
    %dma_start3A_122 = tpu.memref_slice %arg2[%dma_start3A_120, %dma_start3A_121] : memref<1000000x128xf32, #tpu.memory_space<hbm>> -> memref<1000000x128xf32, #tpu.memory_space<hbm>>
    tpu.enqueue_indirect_dma source(%dma_start3A_122 : memref<1000000x128xf32, #tpu.memory_space<hbm>>) target(%dma_start3A_117 : memref<128x128xf32, #tpu.memory_space<vmem>>) offsets(%dma_start3A_119 : memref<128xi32, #tpu.memory_space<vmem>>) semaphore(%arg13 : memref<!tpu.dma_semaphore, #tpu.memory_space<semaphore_mem>>)
    %dma_wait3A_123 = arith.constant 0 : i32
    %dma_wait3A_124 = arith.constant 0 : i32
    %dma_wait3A_125 = arith.constant 0 : i32
    %dma_wait3A_126 = tpu.memref_slice %arg10[%dma_wait3A_123, %dma_wait3A_124, %dma_wait3A_125] : memref<2x128x128xf32, #tpu.memory_space<vmem>> -> memref<1x128x128xf32, #tpu.memory_space<vmem>>
    %dma_wait3A_127 = tpu.memref_squeeze %dma_wait3A_126 : memref<1x128x128xf32, #tpu.memory_space<vmem>> -> memref<128x128xf32, #tpu.memory_space<vmem>>
    %dma_wait3A_128 = arith.constant 512 : i32
    %dma_wait3A_129 = tpu.memref_slice %arg8[%dma_wait3A_128] : memref<768xi32, #tpu.memory_space<vmem>> -> memref<128xi32, #tpu.memory_space<vmem>>
    %dma_wait3A_130 = arith.constant 0 : i32
    %dma_wait3A_131 = arith.constant 0 : i32
    %dma_wait3A_132 = tpu.memref_slice %arg2[%dma_wait3A_130, %dma_wait3A_131] : memref<1000000x128xf32, #tpu.memory_space<hbm>> -> memref<1000000x128xf32, #tpu.memory_space<hbm>>
    tpu.wait_indirect_dma semaphore(%arg12 : memref<!tpu.dma_semaphore, #tpu.memory_space<semaphore_mem>>) src(%dma_wait3A_132 : memref<1000000x128xf32, #tpu.memory_space<hbm>>) dst(%dma_wait3A_127 : memref<128x128xf32, #tpu.memory_space<vmem>>)
    %run_scoped3A_133 = arith.constant 0 : i32
    "tpu.region"() ({
      %run_scoped3A_152 = tpu.sem_alloc : memref<!tpu.dma_semaphore, #tpu.memory_space<semaphore_mem>>
      %dma_start3A_153 = arith.constant 0 : i32
      %dma_start3A_154 = arith.constant 0 : i32
      %dma_start3A_155 = tpu.memref_slice %arg10[%run_scoped3A_133, %dma_start3A_153, %dma_start3A_154] : memref<2x128x128xf32, #tpu.memory_space<vmem>> -> memref<1x128x128xf32, #tpu.memory_space<vmem>>
      %dma_start3A_156 = tpu.memref_squeeze %dma_start3A_155 : memref<1x128x128xf32, #tpu.memory_space<vmem>> -> memref<128x128xf32, #tpu.memory_space<vmem>>
      %dma_start3A_157 = arith.constant 512 : i32
      %dma_start3A_158 = tpu.memref_slice %arg6[%mul3A_6, %dma_start3A_157] : memref<4096x768xf32, #tpu.memory_space<hbm>> -> memref<128x128xf32, #tpu.memory_space<hbm>>
      %dma_start3A_159 = arith.constant 512 : i32
      %dma_start3A_160 = tpu.memref_slice %arg6[%mul3A_6, %dma_start3A_159] : memref<4096x768xf32, #tpu.memory_space<hbm>> -> memref<128x128xf32, #tpu.memory_space<hbm>>
      %dma_start3A_161 = arith.constant 0 : i32
      %dma_start3A_162 = arith.constant 0 : i32
      %dma_start3A_163 = tpu.memref_slice %arg10[%run_scoped3A_133, %dma_start3A_161, %dma_start3A_162] : memref<2x128x128xf32, #tpu.memory_space<vmem>> -> memref<1x128x128xf32, #tpu.memory_space<vmem>>
      %dma_start3A_164 = tpu.memref_squeeze %dma_start3A_163 : memref<1x128x128xf32, #tpu.memory_space<vmem>> -> memref<128x128xf32, #tpu.memory_space<vmem>>
      tpu.enqueue_dma source(%dma_start3A_164 : memref<128x128xf32, #tpu.memory_space<vmem>>) target(%dma_start3A_160 : memref<128x128xf32, #tpu.memory_space<hbm>>) target_semaphore(%run_scoped3A_152 : memref<!tpu.dma_semaphore, #tpu.memory_space<semaphore_mem>>)
      %dma_wait3A_165 = arith.constant 0 : i32
      %dma_wait3A_166 = arith.constant 0 : i32
      %dma_wait3A_167 = tpu.memref_slice %arg10[%run_scoped3A_133, %dma_wait3A_165, %dma_wait3A_166] : memref<2x128x128xf32, #tpu.memory_space<vmem>> -> memref<1x128x128xf32, #tpu.memory_space<vmem>>
      %dma_wait3A_168 = tpu.memref_squeeze %dma_wait3A_167 : memref<1x128x128xf32, #tpu.memory_space<vmem>> -> memref<128x128xf32, #tpu.memory_space<vmem>>
      %dma_wait3A_169 = arith.constant 512 : i32
      %dma_wait3A_170 = tpu.memref_slice %arg6[%mul3A_6, %dma_wait3A_169] : memref<4096x768xf32, #tpu.memory_space<hbm>> -> memref<128x128xf32, #tpu.memory_space<hbm>>
      %dma_wait3A_171 = arith.constant 512 : i32
      %dma_wait3A_172 = tpu.memref_slice %arg6[%mul3A_6, %dma_wait3A_171] : memref<4096x768xf32, #tpu.memory_space<hbm>> -> memref<128x128xf32, #tpu.memory_space<hbm>>
      %dma_wait3A_173 = arith.constant 0 : i32
      %dma_wait3A_174 = arith.constant 0 : i32
      %dma_wait3A_175 = tpu.memref_slice %arg10[%run_scoped3A_133, %dma_wait3A_173, %dma_wait3A_174] : memref<2x128x128xf32, #tpu.memory_space<vmem>> -> memref<1x128x128xf32, #tpu.memory_space<vmem>>
      %dma_wait3A_176 = tpu.memref_squeeze %dma_wait3A_175 : memref<1x128x128xf32, #tpu.memory_space<vmem>> -> memref<128x128xf32, #tpu.memory_space<vmem>>
      tpu.wait_dma2 semaphore(%run_scoped3A_152 : memref<!tpu.dma_semaphore, #tpu.memory_space<semaphore_mem>>) src(%dma_wait3A_176 : memref<128x128xf32, #tpu.memory_space<vmem>>) dst(%dma_wait3A_172 : memref<128x128xf32, #tpu.memory_space<hbm>>)
      tpu.yield
    }) : () -> ()
    %dma_wait3A_134 = arith.constant 1 : i32
    %dma_wait3A_135 = arith.constant 0 : i32
    %dma_wait3A_136 = arith.constant 0 : i32
    %dma_wait3A_137 = tpu.memref_slice %arg10[%dma_wait3A_134, %dma_wait3A_135, %dma_wait3A_136] : memref<2x128x128xf32, #tpu.memory_space<vmem>> -> memref<1x128x128xf32, #tpu.memory_space<vmem>>
    %dma_wait3A_138 = tpu.memref_squeeze %dma_wait3A_137 : memref<1x128x128xf32, #tpu.memory_space<vmem>> -> memref<128x128xf32, #tpu.memory_space<vmem>>
    %dma_wait3A_139 = arith.constant 640 : i32
    %dma_wait3A_140 = tpu.memref_slice %arg8[%dma_wait3A_139] : memref<768xi32, #tpu.memory_space<vmem>> -> memref<128xi32, #tpu.memory_space<vmem>>
    %dma_wait3A_141 = arith.constant 0 : i32
    %dma_wait3A_142 = arith.constant 0 : i32
    %dma_wait3A_143 = tpu.memref_slice %arg2[%dma_wait3A_141, %dma_wait3A_142] : memref<1000000x128xf32, #tpu.memory_space<hbm>> -> memref<1000000x128xf32, #tpu.memory_space<hbm>>
    tpu.wait_indirect_dma semaphore(%arg13 : memref<!tpu.dma_semaphore, #tpu.memory_space<semaphore_mem>>) src(%dma_wait3A_143 : memref<1000000x128xf32, #tpu.memory_space<hbm>>) dst(%dma_wait3A_138 : memref<128x128xf32, #tpu.memory_space<vmem>>)
    %run_scoped3A_144 = arith.constant 1 : i32
    "tpu.region"() ({
      %run_scoped3A_152 = tpu.sem_alloc : memref<!tpu.dma_semaphore, #tpu.memory_space<semaphore_mem>>
      %dma_start3A_153 = arith.constant 0 : i32
      %dma_start3A_154 = arith.constant 0 : i32
      %dma_start3A_155 = tpu.memref_slice %arg10[%run_scoped3A_144, %dma_start3A_153, %dma_start3A_154] : memref<2x128x128xf32, #tpu.memory_space<vmem>> -> memref<1x128x128xf32, #tpu.memory_space<vmem>>
      %dma_start3A_156 = tpu.memref_squeeze %dma_start3A_155 : memref<1x128x128xf32, #tpu.memory_space<vmem>> -> memref<128x128xf32, #tpu.memory_space<vmem>>
      %dma_start3A_157 = arith.constant 640 : i32
      %dma_start3A_158 = tpu.memref_slice %arg6[%mul3A_6, %dma_start3A_157] : memref<4096x768xf32, #tpu.memory_space<hbm>> -> memref<128x128xf32, #tpu.memory_space<hbm>>
      %dma_start3A_159 = arith.constant 640 : i32
      %dma_start3A_160 = tpu.memref_slice %arg6[%mul3A_6, %dma_start3A_159] : memref<4096x768xf32, #tpu.memory_space<hbm>> -> memref<128x128xf32, #tpu.memory_space<hbm>>
      %dma_start3A_161 = arith.constant 0 : i32
      %dma_start3A_162 = arith.constant 0 : i32
      %dma_start3A_163 = tpu.memref_slice %arg10[%run_scoped3A_144, %dma_start3A_161, %dma_start3A_162] : memref<2x128x128xf32, #tpu.memory_space<vmem>> -> memref<1x128x128xf32, #tpu.memory_space<vmem>>
      %dma_start3A_164 = tpu.memref_squeeze %dma_start3A_163 : memref<1x128x128xf32, #tpu.memory_space<vmem>> -> memref<128x128xf32, #tpu.memory_space<vmem>>
      tpu.enqueue_dma source(%dma_start3A_164 : memref<128x128xf32, #tpu.memory_space<vmem>>) target(%dma_start3A_160 : memref<128x128xf32, #tpu.memory_space<hbm>>) target_semaphore(%run_scoped3A_152 : memref<!tpu.dma_semaphore, #tpu.memory_space<semaphore_mem>>)
      %dma_wait3A_165 = arith.constant 0 : i32
      %dma_wait3A_166 = arith.constant 0 : i32
      %dma_wait3A_167 = tpu.memref_slice %arg10[%run_scoped3A_144, %dma_wait3A_165, %dma_wait3A_166] : memref<2x128x128xf32, #tpu.memory_space<vmem>> -> memref<1x128x128xf32, #tpu.memory_space<vmem>>
      %dma_wait3A_168 = tpu.memref_squeeze %dma_wait3A_167 : memref<1x128x128xf32, #tpu.memory_space<vmem>> -> memref<128x128xf32, #tpu.memory_space<vmem>>
      %dma_wait3A_169 = arith.constant 640 : i32
      %dma_wait3A_170 = tpu.memref_slice %arg6[%mul3A_6, %dma_wait3A_169] : memref<4096x768xf32, #tpu.memory_space<hbm>> -> memref<128x128xf32, #tpu.memory_space<hbm>>
      %dma_wait3A_171 = arith.constant 640 : i32
      %dma_wait3A_172 = tpu.memref_slice %arg6[%mul3A_6, %dma_wait3A_171] : memref<4096x768xf32, #tpu.memory_space<hbm>> -> memref<128x128xf32, #tpu.memory_space<hbm>>
      %dma_wait3A_173 = arith.constant 0 : i32
      %dma_wait3A_174 = arith.constant 0 : i32
      %dma_wait3A_175 = tpu.memref_slice %arg10[%run_scoped3A_144, %dma_wait3A_173, %dma_wait3A_174] : memref<2x128x128xf32, #tpu.memory_space<vmem>> -> memref<1x128x128xf32, #tpu.memory_space<vmem>>
      %dma_wait3A_176 = tpu.memref_squeeze %dma_wait3A_175 : memref<1x128x128xf32, #tpu.memory_space<vmem>> -> memref<128x128xf32, #tpu.memory_space<vmem>>
      tpu.wait_dma2 semaphore(%run_scoped3A_152 : memref<!tpu.dma_semaphore, #tpu.memory_space<semaphore_mem>>) src(%dma_wait3A_176 : memref<128x128xf32, #tpu.memory_space<vmem>>) dst(%dma_wait3A_172 : memref<128x128xf32, #tpu.memory_space<hbm>>)
      tpu.yield
    }) : () -> ()
    %dma_wait3A_145 = arith.constant 64 : i32
    %dma_wait3A_146 = tpu.memref_slice %arg9[%dma_wait3A_145] : memref<128xi32, #tpu.memory_space<vmem>> -> memref<64xi32, #tpu.memory_space<vmem>>
    %dma_wait3A_147 = arith.constant 0 : i32
    %dma_wait3A_148 = arith.constant 0 : i32
    %dma_wait3A_149 = tpu.memref_slice %arg3[%dma_wait3A_147, %dma_wait3A_148] : memref<1000x896xf32, #tpu.memory_space<hbm>> -> memref<1000x896xf32, #tpu.memory_space<hbm>>
    tpu.wait_indirect_dma semaphore(%arg14 : memref<!tpu.dma_semaphore, #tpu.memory_space<semaphore_mem>>) src(%dma_wait3A_149 : memref<1000x896xf32, #tpu.memory_space<hbm>>) dst(%arg11 : memref<64x896xf32, #tpu.memory_space<vmem>>)
    %add3A_150 = arith.constant 64 : i32
    %add3A_151 = arith.addi %mul3A_6, %add3A_150 : i32
    "tpu.region"() ({
      %run_scoped3A_152 = tpu.sem_alloc : memref<!tpu.dma_semaphore, #tpu.memory_space<semaphore_mem>>
      %dma_start3A_153 = arith.constant 0 : i32
      %dma_start3A_154 = tpu.memref_slice %arg7[%add3A_151, %dma_start3A_153] : memref<4096x896xf32, #tpu.memory_space<hbm>> -> memref<64x896xf32, #tpu.memory_space<hbm>>
      %dma_start3A_155 = arith.constant 0 : i32
      %dma_start3A_156 = tpu.memref_slice %arg7[%add3A_151, %dma_start3A_155] : memref<4096x896xf32, #tpu.memory_space<hbm>> -> memref<64x896xf32, #tpu.memory_space<hbm>>
      tpu.enqueue_dma source(%arg11 : memref<64x896xf32, #tpu.memory_space<vmem>>) target(%dma_start3A_156 : memref<64x896xf32, #tpu.memory_space<hbm>>) target_semaphore(%run_scoped3A_152 : memref<!tpu.dma_semaphore, #tpu.memory_space<semaphore_mem>>)
      %dma_wait3A_157 = arith.constant 0 : i32
      %dma_wait3A_158 = tpu.memref_slice %arg7[%add3A_151, %dma_wait3A_157] : memref<4096x896xf32, #tpu.memory_space<hbm>> -> memref<64x896xf32, #tpu.memory_space<hbm>>
      %dma_wait3A_159 = arith.constant 0 : i32
      %dma_wait3A_160 = tpu.memref_slice %arg7[%add3A_151, %dma_wait3A_159] : memref<4096x896xf32, #tpu.memory_space<hbm>> -> memref<64x896xf32, #tpu.memory_space<hbm>>
      tpu.wait_dma2 semaphore(%run_scoped3A_152 : memref<!tpu.dma_semaphore, #tpu.memory_space<semaphore_mem>>) src(%arg11 : memref<64x896xf32, #tpu.memory_space<vmem>>) dst(%dma_wait3A_160 : memref<64x896xf32, #tpu.memory_space<hbm>>)
      tpu.yield
    }) : () -> ()
    return
  }
}

module attributes {stable_mosaic.version = 14 : i64} {
  func.func @_tc_body(%arg0: i32, %arg1: memref<1024x768xf32, #tpu.memory_space<vmem>>, %arg2: memref<1024x896xf32, #tpu.memory_space<vmem>>, %arg3: memref<1024xf32, #tpu.memory_space<vmem>>) attributes {dimension_semantics = [#tpu.dimension_semantics<arbitrary>], iteration_bounds = array<i64: 4>, scalar_prefetch = 0 : i64, scratch_operands = 0 : i64, tpu.core_type = #tpu.core_type<tc>, window_params = [{transform_indices = @transform_0, window_bounds = array<i64: 1024, 768>}, {transform_indices = @transform_1, window_bounds = array<i64: 1024, 896>}, {transform_indices = @transform_2, window_bounds = array<i64: 1024>}]} {
    %get3A = arith.constant 0 : index
    %get3A_0 = arith.constant 0 : index
    %get3A_1 = vector.load %arg1[%get3A, %get3A_0] : memref<1024x768xf32, #tpu.memory_space<vmem>>, vector<1024x768xf32>
    %get3A_2 = arith.constant 0 : index
    %get3A_3 = arith.constant 0 : index
    %get3A_4 = vector.load %arg2[%get3A_2, %get3A_3] : memref<1024x896xf32, #tpu.memory_space<vmem>>, vector<1024x896xf32>
    %slice3A = vector.extract_strided_slice %get3A_4 {offsets = [0, 0], sizes = [1024, 768], strides = [1, 1]} : vector<1024x896xf32> to vector<1024x768xf32>
    %mul3A = arith.mulf %get3A_1, %slice3A : vector<1024x768xf32>
    %slice3A_5 = vector.extract_strided_slice %get3A_4 {offsets = [0, 768], sizes = [1024, 128], strides = [1, 1]} : vector<1024x896xf32> to vector<1024x128xf32>
    %iota3A = tpu.iota {dimensions = array<i32: 0>} : vector<768x128xi32>
    %iota3A_6 = tpu.iota {dimensions = array<i32: 1>} : vector<768x128xi32>
    %jit3A = arith.constant 128 : i32
    %div3A = vector.broadcast %jit3A : i32 to vector<768x128xi32>
    %div3A_7 = arith.divsi %iota3A, %div3A : vector<768x128xi32>
    %sign3A = arith.constant 0 : i32
    %sign3A_8 = vector.broadcast %sign3A : i32 to vector<768x128xi32>
    %sign3A_9 = arith.cmpi sgt, %iota3A, %sign3A_8 : vector<768x128xi32>
    %sign3A_10 = arith.extui %sign3A_9 : vector<768x128xi1> to vector<768x128xi32>
    %sign3A_11 = arith.constant 0 : i32
    %sign3A_12 = vector.broadcast %sign3A_11 : i32 to vector<768x128xi32>
    %sign3A_13 = arith.cmpi slt, %iota3A, %sign3A_12 : vector<768x128xi32>
    %sign3A_14 = arith.extui %sign3A_13 : vector<768x128xi1> to vector<768x128xi32>
    %sign3A_15 = arith.subi %sign3A_10, %sign3A_14 : vector<768x128xi32>
    %sign3A_16 = arith.constant 0 : i32
    %sign3A_17 = arith.cmpi sgt, %jit3A, %sign3A_16 : i32
    %sign3A_18 = arith.extui %sign3A_17 : i1 to i32
    %sign3A_19 = arith.constant 0 : i32
    %sign3A_20 = arith.cmpi slt, %jit3A, %sign3A_19 : i32
    %sign3A_21 = arith.extui %sign3A_20 : i1 to i32
    %sign3A_22 = arith.subi %sign3A_18, %sign3A_21 : i32
    %ne3A = vector.broadcast %sign3A_22 : i32 to vector<768x128xi32>
    %ne3A_23 = arith.cmpi ne, %sign3A_15, %ne3A : vector<768x128xi32>
    %rem3A = vector.broadcast %jit3A : i32 to vector<768x128xi32>
    %rem3A_24 = arith.remsi %iota3A, %rem3A : vector<768x128xi32>
    %ne3A_25 = arith.constant 0 : i32
    %ne3A_26 = vector.broadcast %ne3A_25 : i32 to vector<768x128xi32>
    %ne3A_27 = arith.cmpi ne, %rem3A_24, %ne3A_26 : vector<768x128xi32>
    %and3A = arith.andi %ne3A_23, %ne3A_27 : vector<768x128xi1>
    %sub3A = arith.constant 1 : i32
    %sub3A_28 = vector.broadcast %sub3A : i32 to vector<768x128xi32>
    %sub3A_29 = arith.subi %div3A_7, %sub3A_28 : vector<768x128xi32>
    %select_n3A = arith.select %and3A, %sub3A_29, %div3A_7 : vector<768x128xi1>, vector<768x128xi32>
    %jit3A_30 = arith.constant 128 : i32
    %eq3A = arith.constant 0 : i32
    %eq3A_31 = arith.cmpi eq, %jit3A_30, %eq3A : i32
    %jit3A_32 = arith.constant 1 : i32
    %select_n3A_33 = arith.select %eq3A_31, %jit3A_32, %jit3A_30 : i32
    %rem3A_34 = vector.broadcast %select_n3A_33 : i32 to vector<768x128xi32>
    %rem3A_35 = arith.remsi %iota3A, %rem3A_34 : vector<768x128xi32>
    %ne3A_36 = arith.constant 0 : i32
    %ne3A_37 = vector.broadcast %ne3A_36 : i32 to vector<768x128xi32>
    %ne3A_38 = arith.cmpi ne, %rem3A_35, %ne3A_37 : vector<768x128xi32>
    %lt3A = arith.constant 0 : i32
    %lt3A_39 = vector.broadcast %lt3A : i32 to vector<768x128xi32>
    %lt3A_40 = arith.cmpi slt, %rem3A_35, %lt3A_39 : vector<768x128xi32>
    %lt3A_41 = arith.constant 0 : i32
    %lt3A_42 = arith.cmpi slt, %select_n3A_33, %lt3A_41 : i32
    %ne3A_43 = vector.broadcast %lt3A_42 : i1 to vector<768x128xi1>
    %ne3A_44 = vector.broadcast %ne3A_43 : vector<768x128xi1> to vector<768x128xi1>
    %ne3A_45 = arith.xori %lt3A_40, %ne3A_44 : vector<768x128xi1>
    %and3A_46 = arith.andi %ne3A_45, %ne3A_38 : vector<768x128xi1>
    %add3A = vector.broadcast %select_n3A_33 : i32 to vector<768x128xi32>
    %add3A_47 = arith.addi %rem3A_35, %add3A : vector<768x128xi32>
    %select_n3A_48 = arith.select %and3A_46, %add3A_47, %rem3A_35 : vector<768x128xi1>, vector<768x128xi32>
    %jit3A_49 = arith.constant 8 : i32
    %div3A_50 = vector.broadcast %jit3A_49 : i32 to vector<768x128xi32>
    %div3A_51 = arith.divsi %iota3A_6, %div3A_50 : vector<768x128xi32>
    %sign3A_52 = arith.constant 0 : i32
    %sign3A_53 = vector.broadcast %sign3A_52 : i32 to vector<768x128xi32>
    %sign3A_54 = arith.cmpi sgt, %iota3A_6, %sign3A_53 : vector<768x128xi32>
    %sign3A_55 = arith.extui %sign3A_54 : vector<768x128xi1> to vector<768x128xi32>
    %sign3A_56 = arith.constant 0 : i32
    %sign3A_57 = vector.broadcast %sign3A_56 : i32 to vector<768x128xi32>
    %sign3A_58 = arith.cmpi slt, %iota3A_6, %sign3A_57 : vector<768x128xi32>
    %sign3A_59 = arith.extui %sign3A_58 : vector<768x128xi1> to vector<768x128xi32>
    %sign3A_60 = arith.subi %sign3A_55, %sign3A_59 : vector<768x128xi32>
    %sign3A_61 = arith.constant 0 : i32
    %sign3A_62 = arith.cmpi sgt, %jit3A_49, %sign3A_61 : i32
    %sign3A_63 = arith.extui %sign3A_62 : i1 to i32
    %sign3A_64 = arith.constant 0 : i32
    %sign3A_65 = arith.cmpi slt, %jit3A_49, %sign3A_64 : i32
    %sign3A_66 = arith.extui %sign3A_65 : i1 to i32
    %sign3A_67 = arith.subi %sign3A_63, %sign3A_66 : i32
    %ne3A_68 = vector.broadcast %sign3A_67 : i32 to vector<768x128xi32>
    %ne3A_69 = arith.cmpi ne, %sign3A_60, %ne3A_68 : vector<768x128xi32>
    %rem3A_70 = vector.broadcast %jit3A_49 : i32 to vector<768x128xi32>
    %rem3A_71 = arith.remsi %iota3A_6, %rem3A_70 : vector<768x128xi32>
    %ne3A_72 = arith.constant 0 : i32
    %ne3A_73 = vector.broadcast %ne3A_72 : i32 to vector<768x128xi32>
    %ne3A_74 = arith.cmpi ne, %rem3A_71, %ne3A_73 : vector<768x128xi32>
    %and3A_75 = arith.andi %ne3A_69, %ne3A_74 : vector<768x128xi1>
    %sub3A_76 = arith.constant 1 : i32
    %sub3A_77 = vector.broadcast %sub3A_76 : i32 to vector<768x128xi32>
    %sub3A_78 = arith.subi %div3A_51, %sub3A_77 : vector<768x128xi32>
    %select_n3A_79 = arith.select %and3A_75, %sub3A_78, %div3A_51 : vector<768x128xi1>, vector<768x128xi32>
    %jit3A_80 = arith.constant 2 : i32
    %eq3A_81 = arith.constant 0 : i32
    %eq3A_82 = arith.cmpi eq, %jit3A_80, %eq3A_81 : i32
    %jit3A_83 = arith.constant 1 : i32
    %select_n3A_84 = arith.select %eq3A_82, %jit3A_83, %jit3A_80 : i32
    %rem3A_85 = vector.broadcast %select_n3A_84 : i32 to vector<768x128xi32>
    %rem3A_86 = arith.remsi %select_n3A_79, %rem3A_85 : vector<768x128xi32>
    %ne3A_87 = arith.constant 0 : i32
    %ne3A_88 = vector.broadcast %ne3A_87 : i32 to vector<768x128xi32>
    %ne3A_89 = arith.cmpi ne, %rem3A_86, %ne3A_88 : vector<768x128xi32>
    %lt3A_90 = arith.constant 0 : i32
    %lt3A_91 = vector.broadcast %lt3A_90 : i32 to vector<768x128xi32>
    %lt3A_92 = arith.cmpi slt, %rem3A_86, %lt3A_91 : vector<768x128xi32>
    %lt3A_93 = arith.constant 0 : i32
    %lt3A_94 = arith.cmpi slt, %select_n3A_84, %lt3A_93 : i32
    %ne3A_95 = vector.broadcast %lt3A_94 : i1 to vector<768x128xi1>
    %ne3A_96 = vector.broadcast %ne3A_95 : vector<768x128xi1> to vector<768x128xi1>
    %ne3A_97 = arith.xori %lt3A_92, %ne3A_96 : vector<768x128xi1>
    %and3A_98 = arith.andi %ne3A_97, %ne3A_89 : vector<768x128xi1>
    %add3A_99 = vector.broadcast %select_n3A_84 : i32 to vector<768x128xi32>
    %add3A_100 = arith.addi %rem3A_86, %add3A_99 : vector<768x128xi32>
    %select_n3A_101 = arith.select %and3A_98, %add3A_100, %rem3A_86 : vector<768x128xi1>, vector<768x128xi32>
    %eq3A_102 = arith.constant 0 : i32
    %eq3A_103 = vector.broadcast %eq3A_102 : i32 to vector<768x128xi32>
    %eq3A_104 = arith.cmpi eq, %select_n3A_101, %eq3A_103 : vector<768x128xi32>
    %mul3A_105 = arith.constant 2 : i32
    %mul3A_106 = vector.broadcast %mul3A_105 : i32 to vector<768x128xi32>
    %mul3A_107 = arith.muli %mul3A_106, %select_n3A : vector<768x128xi32>
    %le3A = arith.cmpi sle, %mul3A_107, %select_n3A_79 : vector<768x128xi32>
    %and3A_108 = arith.andi %eq3A_104, %le3A : vector<768x128xi1>
    %not3A = arith.constant dense<true> : vector<768x128xi1>
    %not3A_109 = arith.xori %eq3A_104, %not3A : vector<768x128xi1>
    %mul3A_110 = arith.constant 2 : i32
    %mul3A_111 = vector.broadcast %mul3A_110 : i32 to vector<768x128xi32>
    %mul3A_112 = arith.muli %mul3A_111, %select_n3A : vector<768x128xi32>
    %add3A_113 = arith.constant 1 : i32
    %add3A_114 = vector.broadcast %add3A_113 : i32 to vector<768x128xi32>
    %add3A_115 = arith.addi %select_n3A_79, %add3A_114 : vector<768x128xi32>
    %ge3A = arith.cmpi sge, %mul3A_112, %add3A_115 : vector<768x128xi32>
    %and3A_116 = arith.andi %not3A_109, %ge3A : vector<768x128xi1>
    %or3A = arith.ori %and3A_108, %and3A_116 : vector<768x128xi1>
    %lt3A_117 = arith.constant 64 : i32
    %lt3A_118 = vector.broadcast %lt3A_117 : i32 to vector<768x128xi32>
    %lt3A_119 = arith.cmpi slt, %select_n3A_48, %lt3A_118 : vector<768x128xi32>
    %jit3A_120 = arith.constant 8 : i32
    %eq3A_121 = arith.constant 0 : i32
    %eq3A_122 = arith.cmpi eq, %jit3A_120, %eq3A_121 : i32
    %jit3A_123 = arith.constant 1 : i32
    %select_n3A_124 = arith.select %eq3A_122, %jit3A_123, %jit3A_120 : i32
    %rem3A_125 = vector.broadcast %select_n3A_124 : i32 to vector<768x128xi32>
    %rem3A_126 = arith.remsi %select_n3A_48, %rem3A_125 : vector<768x128xi32>
    %ne3A_127 = arith.constant 0 : i32
    %ne3A_128 = vector.broadcast %ne3A_127 : i32 to vector<768x128xi32>
    %ne3A_129 = arith.cmpi ne, %rem3A_126, %ne3A_128 : vector<768x128xi32>
    %lt3A_130 = arith.constant 0 : i32
    %lt3A_131 = vector.broadcast %lt3A_130 : i32 to vector<768x128xi32>
    %lt3A_132 = arith.cmpi slt, %rem3A_126, %lt3A_131 : vector<768x128xi32>
    %lt3A_133 = arith.constant 0 : i32
    %lt3A_134 = arith.cmpi slt, %select_n3A_124, %lt3A_133 : i32
    %ne3A_135 = vector.broadcast %lt3A_134 : i1 to vector<768x128xi1>
    %ne3A_136 = vector.broadcast %ne3A_135 : vector<768x128xi1> to vector<768x128xi1>
    %ne3A_137 = arith.xori %lt3A_132, %ne3A_136 : vector<768x128xi1>
    %and3A_138 = arith.andi %ne3A_137, %ne3A_129 : vector<768x128xi1>
    %add3A_139 = vector.broadcast %select_n3A_124 : i32 to vector<768x128xi32>
    %add3A_140 = arith.addi %rem3A_126, %add3A_139 : vector<768x128xi32>
    %select_n3A_141 = arith.select %and3A_138, %add3A_140, %rem3A_126 : vector<768x128xi1>, vector<768x128xi32>
    %jit3A_142 = arith.constant 8 : i32
    %eq3A_143 = arith.constant 0 : i32
    %eq3A_144 = arith.cmpi eq, %jit3A_142, %eq3A_143 : i32
    %jit3A_145 = arith.constant 1 : i32
    %select_n3A_146 = arith.select %eq3A_144, %jit3A_145, %jit3A_142 : i32
    %rem3A_147 = vector.broadcast %select_n3A_146 : i32 to vector<768x128xi32>
    %rem3A_148 = arith.remsi %iota3A_6, %rem3A_147 : vector<768x128xi32>
    %ne3A_149 = arith.constant 0 : i32
    %ne3A_150 = vector.broadcast %ne3A_149 : i32 to vector<768x128xi32>
    %ne3A_151 = arith.cmpi ne, %rem3A_148, %ne3A_150 : vector<768x128xi32>
    %lt3A_152 = arith.constant 0 : i32
    %lt3A_153 = vector.broadcast %lt3A_152 : i32 to vector<768x128xi32>
    %lt3A_154 = arith.cmpi slt, %rem3A_148, %lt3A_153 : vector<768x128xi32>
    %lt3A_155 = arith.constant 0 : i32
    %lt3A_156 = arith.cmpi slt, %select_n3A_146, %lt3A_155 : i32
    %ne3A_157 = vector.broadcast %lt3A_156 : i1 to vector<768x128xi1>
    %ne3A_158 = vector.broadcast %ne3A_157 : vector<768x128xi1> to vector<768x128xi1>
    %ne3A_159 = arith.xori %lt3A_154, %ne3A_158 : vector<768x128xi1>
    %and3A_160 = arith.andi %ne3A_159, %ne3A_151 : vector<768x128xi1>
    %add3A_161 = vector.broadcast %select_n3A_146 : i32 to vector<768x128xi32>
    %add3A_162 = arith.addi %rem3A_148, %add3A_161 : vector<768x128xi32>
    %select_n3A_163 = arith.select %and3A_160, %add3A_162, %rem3A_148 : vector<768x128xi1>, vector<768x128xi32>
    %eq3A_164 = arith.cmpi eq, %select_n3A_141, %select_n3A_163 : vector<768x128xi32>
    %and3A_165 = arith.andi %lt3A_119, %eq3A_164 : vector<768x128xi1>
    %and3A_166 = arith.andi %and3A_165, %or3A : vector<768x128xi1>
    %lt3A_167 = arith.constant 11 : i32
    %lt3A_168 = vector.broadcast %lt3A_167 : i32 to vector<768x128xi32>
    %lt3A_169 = arith.cmpi slt, %select_n3A_79, %lt3A_168 : vector<768x128xi32>
    %and3A_170 = arith.andi %and3A_166, %lt3A_169 : vector<768x128xi1>
    %jit3A_171 = arith.constant 1.000000e+00 : f32
    %jit3A_172 = arith.constant 0.000000e+00 : f32
    %broadcast_in_dim3A = vector.broadcast %jit3A_171 : f32 to vector<768x128xf32>
    %broadcast_in_dim3A_173 = vector.broadcast %jit3A_172 : f32 to vector<768x128xf32>
    %select_n3A_174 = arith.select %and3A_170, %broadcast_in_dim3A, %broadcast_in_dim3A_173 : vector<768x128xi1>, vector<768x128xf32>
    %iota3A_175 = tpu.iota {dimensions = array<i32: 0>} : vector<128x128xi32>
    %iota3A_176 = tpu.iota {dimensions = array<i32: 1>} : vector<128x128xi32>
    %lt3A_177 = arith.constant 8 : i32
    %lt3A_178 = vector.broadcast %lt3A_177 : i32 to vector<128x128xi32>
    %lt3A_179 = arith.cmpi slt, %iota3A_175, %lt3A_178 : vector<128x128xi32>
    %jit3A_180 = arith.constant 8 : i32
    %eq3A_181 = arith.constant 0 : i32
    %eq3A_182 = arith.cmpi eq, %jit3A_180, %eq3A_181 : i32
    %jit3A_183 = arith.constant 1 : i32
    %select_n3A_184 = arith.select %eq3A_182, %jit3A_183, %jit3A_180 : i32
    %rem3A_185 = vector.broadcast %select_n3A_184 : i32 to vector<128x128xi32>
    %rem3A_186 = arith.remsi %iota3A_176, %rem3A_185 : vector<128x128xi32>
    %ne3A_187 = arith.constant 0 : i32
    %ne3A_188 = vector.broadcast %ne3A_187 : i32 to vector<128x128xi32>
    %ne3A_189 = arith.cmpi ne, %rem3A_186, %ne3A_188 : vector<128x128xi32>
    %lt3A_190 = arith.constant 0 : i32
    %lt3A_191 = vector.broadcast %lt3A_190 : i32 to vector<128x128xi32>
    %lt3A_192 = arith.cmpi slt, %rem3A_186, %lt3A_191 : vector<128x128xi32>
    %lt3A_193 = arith.constant 0 : i32
    %lt3A_194 = arith.cmpi slt, %select_n3A_184, %lt3A_193 : i32
    %ne3A_195 = vector.broadcast %lt3A_194 : i1 to vector<128x128xi1>
    %ne3A_196 = vector.broadcast %ne3A_195 : vector<128x128xi1> to vector<128x128xi1>
    %ne3A_197 = arith.xori %lt3A_192, %ne3A_196 : vector<128x128xi1>
    %and3A_198 = arith.andi %ne3A_197, %ne3A_189 : vector<128x128xi1>
    %add3A_199 = vector.broadcast %select_n3A_184 : i32 to vector<128x128xi32>
    %add3A_200 = arith.addi %rem3A_186, %add3A_199 : vector<128x128xi32>
    %select_n3A_201 = arith.select %and3A_198, %add3A_200, %rem3A_186 : vector<128x128xi1>, vector<128x128xi32>
    %eq3A_202 = arith.cmpi eq, %iota3A_175, %select_n3A_201 : vector<128x128xi32>
    %and3A_203 = arith.andi %lt3A_179, %eq3A_202 : vector<128x128xi1>
    %lt3A_204 = arith.constant 88 : i32
    %lt3A_205 = vector.broadcast %lt3A_204 : i32 to vector<128x128xi32>
    %lt3A_206 = arith.cmpi slt, %iota3A_176, %lt3A_205 : vector<128x128xi32>
    %and3A_207 = arith.andi %and3A_203, %lt3A_206 : vector<128x128xi1>
    %jit3A_208 = arith.constant 1.000000e+00 : f32
    %jit3A_209 = arith.constant 0.000000e+00 : f32
    %broadcast_in_dim3A_210 = vector.broadcast %jit3A_208 : f32 to vector<128x128xf32>
    %broadcast_in_dim3A_211 = vector.broadcast %jit3A_209 : f32 to vector<128x128xf32>
    %select_n3A_212 = arith.select %and3A_207, %broadcast_in_dim3A_210, %broadcast_in_dim3A_211 : vector<128x128xi1>, vector<128x128xf32>
    %dot_general3A = arith.constant dense<0.000000e+00> : vector<1024x128xf32>
    %dot_general3A_213 = tpu.matmul %mul3A, %select_n3A_174, %dot_general3A {dimension_numbers = #tpu.dot_dimension_numbers<[1], [0], [0], [1], [0, 0, 1, 1], [], []>, transpose_lhs_hint = false} : vector<1024x768xf32>, vector<768x128xf32>, vector<1024x128xf32> -> vector<1024x128xf32>
    %dot_general3A_214 = arith.constant dense<0.000000e+00> : vector<1024x128xf32>
    %dot_general3A_215 = tpu.matmul %slice3A_5, %select_n3A_212, %dot_general3A_214 {dimension_numbers = #tpu.dot_dimension_numbers<[1], [0], [0], [1], [0, 0, 1, 1], [], []>, transpose_lhs_hint = false} : vector<1024x128xf32>, vector<128x128xf32>, vector<1024x128xf32> -> vector<1024x128xf32>
    %add3A_216 = arith.addf %dot_general3A_213, %dot_general3A_215 : vector<1024x128xf32>
    %tanh3A = math.tanh %add3A_216 : vector<1024x128xf32>
    %jit3A_217 = arith.constant 8 : i32
    %div3A_218 = vector.broadcast %jit3A_217 : i32 to vector<128x128xi32>
    %div3A_219 = arith.divsi %iota3A_175, %div3A_218 : vector<128x128xi32>
    %sign3A_220 = arith.constant 0 : i32
    %sign3A_221 = vector.broadcast %sign3A_220 : i32 to vector<128x128xi32>
    %sign3A_222 = arith.cmpi sgt, %iota3A_175, %sign3A_221 : vector<128x128xi32>
    %sign3A_223 = arith.extui %sign3A_222 : vector<128x128xi1> to vector<128x128xi32>
    %sign3A_224 = arith.constant 0 : i32
    %sign3A_225 = vector.broadcast %sign3A_224 : i32 to vector<128x128xi32>
    %sign3A_226 = arith.cmpi slt, %iota3A_175, %sign3A_225 : vector<128x128xi32>
    %sign3A_227 = arith.extui %sign3A_226 : vector<128x128xi1> to vector<128x128xi32>
    %sign3A_228 = arith.subi %sign3A_223, %sign3A_227 : vector<128x128xi32>
    %sign3A_229 = arith.constant 0 : i32
    %sign3A_230 = arith.cmpi sgt, %jit3A_217, %sign3A_229 : i32
    %sign3A_231 = arith.extui %sign3A_230 : i1 to i32
    %sign3A_232 = arith.constant 0 : i32
    %sign3A_233 = arith.cmpi slt, %jit3A_217, %sign3A_232 : i32
    %sign3A_234 = arith.extui %sign3A_233 : i1 to i32
    %sign3A_235 = arith.subi %sign3A_231, %sign3A_234 : i32
    %ne3A_236 = vector.broadcast %sign3A_235 : i32 to vector<128x128xi32>
    %ne3A_237 = arith.cmpi ne, %sign3A_228, %ne3A_236 : vector<128x128xi32>
    %rem3A_238 = vector.broadcast %jit3A_217 : i32 to vector<128x128xi32>
    %rem3A_239 = arith.remsi %iota3A_175, %rem3A_238 : vector<128x128xi32>
    %ne3A_240 = arith.constant 0 : i32
    %ne3A_241 = vector.broadcast %ne3A_240 : i32 to vector<128x128xi32>
    %ne3A_242 = arith.cmpi ne, %rem3A_239, %ne3A_241 : vector<128x128xi32>
    %and3A_243 = arith.andi %ne3A_237, %ne3A_242 : vector<128x128xi1>
    %sub3A_244 = arith.constant 1 : i32
    %sub3A_245 = vector.broadcast %sub3A_244 : i32 to vector<128x128xi32>
    %sub3A_246 = arith.subi %div3A_219, %sub3A_245 : vector<128x128xi32>
    %select_n3A_247 = arith.select %and3A_243, %sub3A_246, %div3A_219 : vector<128x128xi1>, vector<128x128xi32>
    %eq3A_248 = arith.cmpi eq, %select_n3A_247, %iota3A_176 : vector<128x128xi32>
    %lt3A_249 = arith.constant 11 : i32
    %lt3A_250 = vector.broadcast %lt3A_249 : i32 to vector<128x128xi32>
    %lt3A_251 = arith.cmpi slt, %iota3A_176, %lt3A_250 : vector<128x128xi32>
    %and3A_252 = arith.andi %eq3A_248, %lt3A_251 : vector<128x128xi1>
    %jit3A_253 = arith.constant 1.000000e+00 : f32
    %jit3A_254 = arith.constant 0.000000e+00 : f32
    %broadcast_in_dim3A_255 = vector.broadcast %jit3A_253 : f32 to vector<128x128xf32>
    %broadcast_in_dim3A_256 = vector.broadcast %jit3A_254 : f32 to vector<128x128xf32>
    %select_n3A_257 = arith.select %and3A_252, %broadcast_in_dim3A_255, %broadcast_in_dim3A_256 : vector<128x128xi1>, vector<128x128xf32>
    %dot_general3A_258 = arith.constant dense<0.000000e+00> : vector<1024x128xf32>
    %dot_general3A_259 = tpu.matmul %tanh3A, %select_n3A_257, %dot_general3A_258 {dimension_numbers = #tpu.dot_dimension_numbers<[1], [0], [0], [1], [0, 0, 1, 1], [], []>, transpose_lhs_hint = false} : vector<1024x128xf32>, vector<128x128xf32>, vector<1024x128xf32> -> vector<1024x128xf32>
    %slice3A_260 = vector.extract_strided_slice %iota3A_176 {offsets = [0, 0], sizes = [1, 128], strides = [1, 1]} : vector<128x128xi32> to vector<1x128xi32>
    %eq3A_261 = arith.constant 11 : i32
    %eq3A_262 = vector.broadcast %eq3A_261 : i32 to vector<1x128xi32>
    %eq3A_263 = arith.cmpi eq, %slice3A_260, %eq3A_262 : vector<1x128xi32>
    %jit3A_264 = arith.constant 1.000000e+00 : f32
    %jit3A_265 = arith.constant 0.000000e+00 : f32
    %broadcast_in_dim3A_266 = vector.broadcast %jit3A_264 : f32 to vector<1x128xf32>
    %broadcast_in_dim3A_267 = vector.broadcast %jit3A_265 : f32 to vector<1x128xf32>
    %select_n3A_268 = arith.select %eq3A_263, %broadcast_in_dim3A_266, %broadcast_in_dim3A_267 : vector<1x128xi1>, vector<1x128xf32>
    %add3A_269 = vector.broadcast %select_n3A_268 : vector<1x128xf32> to vector<1024x128xf32>
    %add3A_270 = arith.addf %dot_general3A_259, %add3A_269 : vector<1024x128xf32>
    %jit3A_271 = arith.constant 2 : i32
    %eq3A_272 = arith.constant 0 : i32
    %eq3A_273 = arith.cmpi eq, %jit3A_271, %eq3A_272 : i32
    %jit3A_274 = arith.constant 1 : i32
    %select_n3A_275 = arith.select %eq3A_273, %jit3A_274, %jit3A_271 : i32
    %rem3A_276 = vector.broadcast %select_n3A_275 : i32 to vector<128x128xi32>
    %rem3A_277 = arith.remsi %iota3A_176, %rem3A_276 : vector<128x128xi32>
    %ne3A_278 = arith.constant 0 : i32
    %ne3A_279 = vector.broadcast %ne3A_278 : i32 to vector<128x128xi32>
    %ne3A_280 = arith.cmpi ne, %rem3A_277, %ne3A_279 : vector<128x128xi32>
    %lt3A_281 = arith.constant 0 : i32
    %lt3A_282 = vector.broadcast %lt3A_281 : i32 to vector<128x128xi32>
    %lt3A_283 = arith.cmpi slt, %rem3A_277, %lt3A_282 : vector<128x128xi32>
    %lt3A_284 = arith.constant 0 : i32
    %lt3A_285 = arith.cmpi slt, %select_n3A_275, %lt3A_284 : i32
    %ne3A_286 = vector.broadcast %lt3A_285 : i1 to vector<128x128xi1>
    %ne3A_287 = vector.broadcast %ne3A_286 : vector<128x128xi1> to vector<128x128xi1>
    %ne3A_288 = arith.xori %lt3A_283, %ne3A_287 : vector<128x128xi1>
    %and3A_289 = arith.andi %ne3A_288, %ne3A_280 : vector<128x128xi1>
    %add3A_290 = vector.broadcast %select_n3A_275 : i32 to vector<128x128xi32>
    %add3A_291 = arith.addi %rem3A_277, %add3A_290 : vector<128x128xi32>
    %select_n3A_292 = arith.select %and3A_289, %add3A_291, %rem3A_277 : vector<128x128xi1>, vector<128x128xi32>
    %eq3A_293 = arith.constant 0 : i32
    %eq3A_294 = vector.broadcast %eq3A_293 : i32 to vector<128x128xi32>
    %eq3A_295 = arith.cmpi eq, %select_n3A_292, %eq3A_294 : vector<128x128xi32>
    %jit3A_296 = arith.constant 2 : i32
    %div3A_297 = vector.broadcast %jit3A_296 : i32 to vector<128x128xi32>
    %div3A_298 = arith.divsi %iota3A_176, %div3A_297 : vector<128x128xi32>
    %sign3A_299 = arith.constant 0 : i32
    %sign3A_300 = vector.broadcast %sign3A_299 : i32 to vector<128x128xi32>
    %sign3A_301 = arith.cmpi sgt, %iota3A_176, %sign3A_300 : vector<128x128xi32>
    %sign3A_302 = arith.extui %sign3A_301 : vector<128x128xi1> to vector<128x128xi32>
    %sign3A_303 = arith.constant 0 : i32
    %sign3A_304 = vector.broadcast %sign3A_303 : i32 to vector<128x128xi32>
    %sign3A_305 = arith.cmpi slt, %iota3A_176, %sign3A_304 : vector<128x128xi32>
    %sign3A_306 = arith.extui %sign3A_305 : vector<128x128xi1> to vector<128x128xi32>
    %sign3A_307 = arith.subi %sign3A_302, %sign3A_306 : vector<128x128xi32>
    %sign3A_308 = arith.constant 0 : i32
    %sign3A_309 = arith.cmpi sgt, %jit3A_296, %sign3A_308 : i32
    %sign3A_310 = arith.extui %sign3A_309 : i1 to i32
    %sign3A_311 = arith.constant 0 : i32
    %sign3A_312 = arith.cmpi slt, %jit3A_296, %sign3A_311 : i32
    %sign3A_313 = arith.extui %sign3A_312 : i1 to i32
    %sign3A_314 = arith.subi %sign3A_310, %sign3A_313 : i32
    %ne3A_315 = vector.broadcast %sign3A_314 : i32 to vector<128x128xi32>
    %ne3A_316 = arith.cmpi ne, %sign3A_307, %ne3A_315 : vector<128x128xi32>
    %rem3A_317 = vector.broadcast %jit3A_296 : i32 to vector<128x128xi32>
    %rem3A_318 = arith.remsi %iota3A_176, %rem3A_317 : vector<128x128xi32>
    %ne3A_319 = arith.constant 0 : i32
    %ne3A_320 = vector.broadcast %ne3A_319 : i32 to vector<128x128xi32>
    %ne3A_321 = arith.cmpi ne, %rem3A_318, %ne3A_320 : vector<128x128xi32>
    %and3A_322 = arith.andi %ne3A_316, %ne3A_321 : vector<128x128xi1>
    %sub3A_323 = arith.constant 1 : i32
    %sub3A_324 = vector.broadcast %sub3A_323 : i32 to vector<128x128xi32>
    %sub3A_325 = arith.subi %div3A_298, %sub3A_324 : vector<128x128xi32>
    %select_n3A_326 = arith.select %and3A_322, %sub3A_325, %div3A_298 : vector<128x128xi1>, vector<128x128xi32>
    %add3A_327 = arith.constant 8 : i32
    %add3A_328 = vector.broadcast %add3A_327 : i32 to vector<128x128xi32>
    %add3A_329 = arith.addi %add3A_328, %select_n3A_326 : vector<128x128xi32>
    %eq3A_330 = arith.cmpi eq, %iota3A_175, %add3A_329 : vector<128x128xi32>
    %and3A_331 = arith.andi %eq3A_295, %eq3A_330 : vector<128x128xi1>
    %lt3A_332 = arith.constant 12 : i32
    %lt3A_333 = vector.broadcast %lt3A_332 : i32 to vector<128x128xi32>
    %lt3A_334 = arith.cmpi slt, %iota3A_176, %lt3A_333 : vector<128x128xi32>
    %and3A_335 = arith.andi %and3A_331, %lt3A_334 : vector<128x128xi1>
    %jit3A_336 = arith.constant 1.000000e+00 : f32
    %jit3A_337 = arith.constant 0.000000e+00 : f32
    %broadcast_in_dim3A_338 = vector.broadcast %jit3A_336 : f32 to vector<128x128xf32>
    %broadcast_in_dim3A_339 = vector.broadcast %jit3A_337 : f32 to vector<128x128xf32>
    %select_n3A_340 = arith.select %and3A_335, %broadcast_in_dim3A_338, %broadcast_in_dim3A_339 : vector<128x128xi1>, vector<128x128xf32>
    %dot_general3A_341 = arith.constant dense<0.000000e+00> : vector<1024x128xf32>
    %dot_general3A_342 = tpu.matmul %slice3A_5, %select_n3A_340, %dot_general3A_341 {dimension_numbers = #tpu.dot_dimension_numbers<[1], [0], [0], [1], [0, 0, 1, 1], [], []>, transpose_lhs_hint = false} : vector<1024x128xf32>, vector<128x128xf32>, vector<1024x128xf32> -> vector<1024x128xf32>
    %slice3A_343 = vector.extract_strided_slice %add3A_270 {offsets = [0, 1], sizes = [1024, 127], strides = [1, 1]} : vector<1024x128xf32> to vector<1024x127xf32>
    %slice3A_344 = vector.extract_strided_slice %add3A_270 {offsets = [0, 0], sizes = [1024, 1], strides = [1, 1]} : vector<1024x128xf32> to vector<1024x1xf32>
    %concatenate3A = tpu.concatenate %slice3A_343, %slice3A_344 in 1 : vector<1024x127xf32>, vector<1024x1xf32> -> vector<1024x128xf32>
    %mul3A_345 = arith.mulf %add3A_270, %concatenate3A : vector<1024x128xf32>
    %mul3A_346 = arith.mulf %mul3A_345, %dot_general3A_342 : vector<1024x128xf32>
    %reduce_sum3A = arith.constant dense<0.000000e+00> : vector<1024xf32>
    %reduce_sum3A_347 = vector.multi_reduction <add>, %mul3A_346, %reduce_sum3A [1] : vector<1024x128xf32> to vector<1024xf32>
    %swap3A = arith.constant 0 : index
    %swap3A_348 = vector.load %arg3[%swap3A] : memref<1024xf32, #tpu.memory_space<vmem>>, vector<1024xf32>
    tpu.vector_store %arg3[%swap3A], %reduce_sum3A_347 {strides = array<i32>} : memref<1024xf32, #tpu.memory_space<vmem>>, vector<1024xf32>,
    return
  }
  func.func @transform_0(%arg0: i32) -> (i32, i32) {
    %c0_i32 = arith.constant 0 : i32
    %c0_i32_0 = arith.constant 0 : i32
    return %arg0, %c0_i32 : i32, i32
  }
  func.func @transform_1(%arg0: i32) -> (i32, i32) {
    %c0_i32 = arith.constant 0 : i32
    %c0_i32_0 = arith.constant 0 : i32
    return %arg0, %c0_i32 : i32, i32
  }
  func.func @transform_2(%arg0: i32) -> i32 {
    %c0_i32 = arith.constant 0 : i32
    return %arg0 : i32
  }
}

</mosaic_0001>

<sc_bundles>
// kernel: kernel.4.cloned.1.call-start
scs
__scs_entry_jumppad:
0x0: {  	(pc) =	sbr.rel $0x88, $3  }
0x1: {  	(tag) =	ssettag $0x0;
	lr =	simm.s32 $0x1  }
0x2: {  	[smem:$0x3F91] =	sst lr;
	_ =	strace $0xD0000000  }
0x3: {  	_ = 	snop  }
0x4: {  	_ = 	snop  }
0x5: {  	_ = 	snop  }
0x6: {  	_ = 	snop  }
0x7: {  	_ = 	snop  }
__scs_overlays_trampoline_lowered:
0x8: {  	[smem:$0x3FA0] =	sst s0  }
0x9: {  	[smem:$0x3FA1] =	sst s1  }
0xa: {  	[smem:$0x3FA2] =	sst s2  }
0xb: {  	[smem:$0x3FA3] =	sst s3  }
0xc: {  	[smem:$0x3FA4] =	sst s4  }
0xd: {  	[smem:$0x3FA5] =	sst s5  }
0xe: {  	[smem:$0x3FA6] =	sst s6  }
0xf: {  	[smem:$0x3FA7] =	sst s7  }
0x10: {  	[smem:$0x3FA8] =	sst s8  }
0x11: {  	[smem:$0x3FA9] =	sst s9;
	s0 =	simm.s32 @!p0 $0x0  }
0x12: {  	s1 =	sld [smem:$0x3F8F];
	s0 =	simm.s32 @p0 $0x1  }
0x13: {  	[smem:$0x3FAA] =	sst s0;
	s0 =	simm.s32 @!p1 $0x0  }
0x14: {  	s2 =	sld [smem:$0x3F8E];
	s0 =	simm.s32 @p1 $0x1  }
0x15: {  	[smem:$0x3FAB] =	sst s0;
	s0 =	simm.s32 @!p2 $0x0  }
0x16: {  	s3 =	sld [smem:$0x3FDB];
	s0 =	simm.s32 @p2 $0x1  }
0x17: {  	s4 =	simm.s32 $0x1BF5;
	[smem:$0x3FAD] =	sst s0  }
0x18: {  	s0 =	sld [smem:$0x3F90];
	_ =	swait.ge [sflag:s4], $0x0  }
0x19: {  	s7 =	sld [smem:$0x3F91]  }
0x1a: {  	s8 =	sadd.s32 $0xFFFFE003, lr  }
0x1b: {  	s9 =	sadd.s32 $0xFFFFFEF7, lr;
	s5 =	simm.s32 $0xFFFFFFFF;
	p2 =	slt.u32 s8, $0xFFFFF086  }
0x1c: {  	p1 =	slt.u32 s9, $0xF7A;
	s5 =	simm.s32 @!p2 $0x0  }
0x1d: {  	s5 =	simm.s32 @p1 $0x1;
	p0 =	seq.s32 s7, s2  }
0x1e: {  	s7 =	smul.u32 @!p0 $0xF7A, s2;
	p2 =	seq.s32 @!p0 s5, $0x0  }
0x1f: {  	s9 =	smul.u32 $0xF7A, s1;
	s8 =	simm.s32 @!p0 $0x1BF5;
	p2 =	por !p2, p0  }
0x20: {  	[sflag:s8] =	ssyncset.s32 @!p0 $0xFFFFF086;
	s6 =	sadd.s32 @!p0 s3, s7;
	s7 =	simm.s32 @!p0 $0x108  }
0x21: {  	s3 =	sadd.s32 s3, s9;
	s6 =	sadd.s32 @!p0 $0x88, s6;
	s7 =	simm.s32 @p2 $0x1082  }
0x22: {  	[simem:s7], [sflag:s8] =	dma.local @!p0 [hbm:s6], $0xF7A  }
0x23: {  	s9 =	sor.u32 $0xD0000000, s2;
	s6 =	simm.s32 $0x108;
	_ =	swait.ge @!p0 [sflag:s8], $0x0  }
0x24: {  	s3 =	sadd.s32 $0x88, s3;
	s6 =	simm.s32 @!p1 $0x1082;
	[sflag:s4] =	ssyncset.s32 $0xFFFFF086  }
0x25: {  	[simem:s6], [sflag:s4] =	dma.local [hbm:s3], $0xF7A  }
0x26: {  	[smem:$0x3F91] =	sst s1;
	(tag) =	ssettag s2;
	_ =	strace s9  }
0x27: {  	s1 =	sld [smem:$0x3FA1]  }
0x28: {  	s2 =	sld [smem:$0x3FA2]  }
0x29: {  	s4 =	sld [smem:$0x3FA4]  }
0x2a: {  	p0 =	seq.s32 s5, $0x0;
	s5 =	sld [smem:$0x3FA5]  }
0x2b: {  	s6 =	sld [smem:$0x3FA6]  }
0x2c: {  	s7 =	sld [smem:$0x3FA7]  }
0x2d: {  	s3 =	simm.s32 $0x108;
	s8 =	sld [smem:$0x3FA8]  }
0x2e: {  	s3 =	simm.s32 @!p0 $0x1082;
	s9 =	sld [smem:$0x3FA9]  }
0x2f: {  	lr =	sadd.s32 s0, s3;
	s0 =	sld [smem:$0x3FA0]  }
0x30: {  	s3 =	sld [smem:$0x3FA3]  }
0x31: {  	[smem:$0x3FAC] =	sst s10  }
0x32: {  	s10 =	sld [smem:$0x3FAA];
	_ =	sdelay $0x3  }
0x33: {  	p0 =	seq.s32 s10, $0x1;
	s10 =	sld [smem:$0x3FAC];
	_ =	sdelay $0x3  }
0x34: {  	[smem:$0x3FAC] =	sst s10  }
0x35: {  	s10 =	sld [smem:$0x3FAB];
	_ =	sdelay $0x3  }
0x36: {  	p1 =	seq.s32 s10, $0x1;
	s10 =	sld [smem:$0x3FAC];
	_ =	sdelay $0x3  }
0x37: {  	[smem:$0x3FAC] =	sst s10  }
0x38: {  	s10 =	sld [smem:$0x3FAD]  }
0x39: {  	_ = 	snop;
	(pc) =	sbr.ind lr, $3  }
0x3a: {  	_ = 	snop  }
0x3b: {  	_ = 	snop  }
0x3c: {  	p2 =	seq.s32 s10, $0x1;
	s10 =	sld [smem:$0x3FAC]  }
0x3d: {  	_ =	shalt  }
0x3e: {  	_ =	shalt  }
0x3f: {  	_ =	shalt  }
0x40: {  	_ =	shalt  }
0x41: {  	_ =	shalt  }
0x42: {  	_ =	shalt  }
0x43: {  	_ =	shalt  }
0x44: {  	_ =	shalt  }
0x45: {  	_ =	shalt  }
0x46: {  	_ =	shalt  }
0x47: {  	_ =	shalt  }
0x48: {  	_ =	shalt  }
0x49: {  	_ =	shalt  }
0x4a: {  	_ =	shalt  }
0x4b: {  	_ =	shalt  }
0x4c: {  	_ =	shalt  }
0x4d: {  	_ =	shalt  }
0x4e: {  	_ =	shalt  }
0x4f: {  	_ =	shalt  }
0x50: {  	_ =	shalt  }
0x51: {  	_ =	shalt  }
0x52: {  	_ =	shalt  }
0x53: {  	_ =	shalt  }
0x54: {  	_ =	shalt  }
0x55: {  	_ =	shalt  }
0x56: {  	_ =	shalt  }
0x57: {  	_ =	shalt  }
0x58: {  	_ =	shalt  }
0x59: {  	_ =	shalt  }
0x5a: {  	_ =	shalt  }
0x5b: {  	_ =	shalt  }
0x5c: {  	_ =	shalt  }
0x5d: {  	_ =	shalt  }
0x5e: {  	_ =	shalt  }
0x5f: {  	_ =	shalt  }
0x60: {  	_ =	shalt  }
0x61: {  	_ =	shalt  }
0x62: {  	_ =	shalt  }
0x63: {  	_ =	shalt  }
0x64: {  	_ =	shalt  }
0x65: {  	_ =	shalt  }
0x66: {  	_ =	shalt  }
0x67: {  	_ =	shalt  }
0x68: {  	_ =	shalt  }
0x69: {  	_ =	shalt  }
0x6a: {  	_ =	shalt  }
0x6b: {  	_ =	shalt  }
0x6c: {  	_ =	shalt  }
0x6d: {  	_ =	shalt  }
0x6e: {  	_ =	shalt  }
0x6f: {  	_ =	shalt  }
0x70: {  	_ =	shalt  }
0x71: {  	_ =	shalt  }
0x72: {  	_ =	shalt  }
0x73: {  	_ =	shalt  }
0x74: {  	_ =	shalt  }
0x75: {  	_ =	shalt  }
0x76: {  	_ =	shalt  }
0x77: {  	_ =	shalt  }
0x78: {  	_ =	shalt  }
0x79: {  	_ =	shalt  }
0x7a: {  	_ =	shalt  }
0x7b: {  	_ =	shalt  }
0x7c: {  	_ =	shalt  }
0x7d: {  	_ =	shalt  }
0x7e: {  	_ =	shalt  }
0x7f: {  	_ =	shalt  }
0x80: {  	_ =	shalt  }
0x81: {  	_ =	shalt  }
0x82: {  	_ =	shalt  }
0x83: {  	_ =	shalt  }
0x84: {  	_ =	shalt  }
0x85: {  	_ =	shalt  }
0x86: {  	_ =	shalt  }
0x87: {  	_ =	shalt  }
.Lfunc_end0:
.L_simem_size_0:
called_computation_lowered:
.L_overlay_start_0:
0x88: {  	s2 =	sld [smem:$0x3FD9]  }
0x89: {  	s3 =	sld [smem:$0x3FFE];
	_ =	sdelay $0x1  }
0x8a: {  	s1 =	srdreg.scid  }
0x8b: {  	s0 =	sand.u32 $0x1, s1  }
0x8c: {  	s17 =	sshll.u32 s0, $0xA;
	s2 =	sadd.s32 s3, s2  }
0x8d: {  	s2 =	sadd.s32 s2, s17  }
0x8e: {  	[smem:$0x3FB8] =	sst s2  }
0x8f: {  	_ = 	snop  }
0x90: {  	s2 =	sld [smem:$0x3FC9];
	(tm) =	ssettm $0x1  }
0x91: {  	s18 =	sld [smem:$0x3FFB];
	_ =	sdelay $0x3  }
0x92: {  	_ =	strace s18  }
0x93: {  	s3 =	sld [smem:$0x3FFC];
	_ =	sdelay $0x3  }
0x94: {  	_ =	strace s3  }
0x95: {  	s3 =	sld [smem:$0x3FFD];
	_ =	sdelay $0x3  }
0x96: {  	_ =	strace s3  }
0x97: {  	_ =	strace $0x8FFFFFFF  }
0x98: {  	s19 =	sld [smem:$0x3FDB];
	_ =	sdelay $0x1  }
0x99: {  	s4 =	simm.s32 $_scs_section_size  }
0x9a: {  	s5 =	simm.s32 $_size__tile_overlayer_lowered;
	s6 =	simm.s32 $_tile_overlayer_lowered  }
0x9b: {  	s22 =	simm.s32 $0x1BFF;
	s21 =	sshll.u32 s6, $0x1;
	s3 =	sadd.s32 s4, s19  }
0x9c: {  	s7 =	simm.s32 $0x0;
	s20 =	sshll.u32 s5, $0x1;
	s5 =	sadd.s32 s21, s3  }
0x9d: {  	[timem:s7], [sflag:s22] =	dma.local [hbm:s5], s20  }
0x9e: {  	_ =	swait.ge [sflag:s22], s20  }
0x9f: {  	s4 =	ssub.s32 $0x0, s20;
	[sflag:s22] =	ssyncset.done $0x0  }
0xa0: {  	[sflag:s22] =	ssyncadd.s32 s4;
	_ =	sdelay $0x1  }
0xa1: {  	s23 =	simm.s32 $0x1B8B  }
0xa2: {  	_ =	swait.ge [sflag:s23], $0x1  }
0xa3: {  	[sflag:s23] =	ssyncset.done $0x0  }
0xa4: {  	s25 =	simm.s32 $0x1B8E;
	s24 =	sld [smem:$0x3FFE];
	[sflag:s23] =	ssyncadd.s32 $0xFFFFFFFF  }
0xa5: {  	s26 =	simm.s32 $execute0_lowered;
	[smem:$0x3FD2] =	sst s25  }
0xa6: {  	s5 =	sshll.u32 s26, $0x1;
	_ =	strace $0x80000046;
	[dreg:$0x1] =	wrdreg $0xFFFFFFFF  }
0xa7: {  	s28 =	simm.s32 $_size_execute0_lowered;
	s3 =	sadd.s32 s3, s5;
	[dreg:$0x0] =	wrdreg $0x0  }
0xa8: {  	s5 =	sshll.u32 s28, $0x1;
	[dreg:$0x2] =	wrdreg s3  }
0xa9: {  	[dreg:$0x3] =	wrdreg s5  }
0xaa: {  	[dreg:$0x4] =	wrdreg $0xC0  }
0xab: {  	_ =	task [dreg:s7], $0x5FFFF  }
0xac: {  	[dreg:$0x1] =	wrdreg $0xFFFFFFFF  }
0xad: {  	[dreg:$0x0] =	wrdreg $0x60  }
0xae: {  	[dreg:$0x2] =	wrdreg s24  }
0xaf: {  	[dreg:$0x3] =	wrdreg s2  }
0xb0: {  	[dreg:$0x4] =	wrdreg $0x9  }
0xb1: {  	_ =	task.clear_ibuf [dreg:s7], $0x5FFFF;
	_ =	strace $0x90000046  }
0xb2: {  	s29 =	simm.s32 $0x9;
	_ =	strace $0x80000048  }
0xb3: {  	_ =	swait.ge [sflag:s29], $0x1  }
0xb4: {  	[sflag:s29] =	ssyncadd.s32 $0xFFFFFFFF  }
0xb5: {  	_ =	strace $0x90000048  }
0xb6: {  	_ =	sfence  }
0xb7: {  	s30 =	sld [smem:$0x0];
	_ =	sdelay $0x2  }
0xb8: {  	s31 =	sshll.u32 s1, $0xD;
	s1 =	sshrl.u32 s1, $0x2  }
0xb9: {  	s3 =	sand.u32 $0x4000, s31;
	s1 =	sadd.s32 s1, s30  }
0xba: {  	s0 =	sor.u32 s3, s0;
	s1 =	sshll.u32 s1, $0x11  }
0xbb: {  	s0 =	sor.u32 s1, s0  }
0xbc: {  	s0 =	sadd.s32 $0x8F2B, s0  }
0xbd: {  	[sflag:s0] =	ssyncadd.remote.s32 $0x1  }
0xbe: {  	_ =	sfence.sel $0xFFFF  }
0xbf: {  	[dreg:$0x0] =	wrdreg $0xFFFFFFFF;
	(pc) =	sbr.abs _section_cstart, $3  }
0xc0: {  	[dreg:$0x1] =	wrdreg $0xFFFFFFFF  }
0xc1: {  	_ =	task.clear_ibuf [dreg:s7], $0x2FFFF;
	_ =	strace $0x9FFFFFFF  }
0xc2: {  	(tm) =	ssettm $0x7FFFFFFF  }
0xc3: {  	_ =	shalt  }
tec
execute0_lowered:
.L_overlay_start_1:
0x0: {  	(tag) =	ssettag $0x1  }
0x1: {  	s0 =	srdreg.scid  }
0x2: {  	s2 =	stileid.u32;
	s1 =	rddreg [dreg:$0x0]  }
0x3: {  	s5 =	rddreg [dreg:$0x1];
	s24 =	simm.s32 $0x300;
	s25 =	simm.s32 $0x100  }
0x4: {  	s26 =	simm.s32 $0x180;
	s29 =	simm.s32 $0x200;
	s30 =	simm.s32 $0x280  }
0x5: {  	s28 =	simm.s32 $0x2;
	s31 =	simm.s32 $0x9380;
	s10 =	simm.s32 $0x400  }
0x6: {  	s11 =	simm.s32 $0x1800;
	s12 =	simm.s32 $0x3;
	s0 =	sand.u32 $0x1, s0  }
0x7: {  	s2 =	sshll.u32 s2, $0x1;
	s14 =	sadd.s32 $0xF7B200, s1;
	s4 =	sadd.s32 $0x4200, s1  }
0x8: {  	s9 =	sadd.s32 $0x7F800, s1;
	s6 =	sor.u32 s0, s2;
	s2 =	simm.s32 $0x0  }
0x9: {  	s0 =	ssub.s32 $0x2, s0;
	s7 =	smul.u32 $0x60, s6;
	[smem:$0x7FF] =	sst s2  }
0xa: {  	s8 =	smul.u32 $0x3000, s6;
	_ =	strace $0x80000047;
	[dreg:$0xd] =	wrdreg s24  }
0xb: {  	s3 =	sshll.u32 s6, $0x4;
	s13 =	smul.u32 $0x3800, s6;
	[dreg:$0xe] =	wrdreg s25  }
0xc: {  	s16 =	sshrl.u32 s0, $0x1;
	s6 =	smul.u32 $0x1C000, s6;
	[dreg:$0xf] =	wrdreg s26  }
0xd: {  	s5 =	sadd.s32 s5, s3;
	s0 =	ssub.s32 s0, s16;
	[dreg:$0x10] =	wrdreg s29  }
0xe: {  	[dreg:$0x11] =	wrdreg s30;
	s16 =	simm.s32 $0xCB80;
	s24 =	simm.s32 $0x10380  }
0xf: {  	s25 =	simm.s32 $0x10B80;
	s26 =	simm.s32 $0x10F80;
	s3 =	simm.s32 $0x4380  }
0x10: {  	s7 =	sadd.s32 s7, s1;
	[dreg:$0x4] =	wrdreg s5;
	s17 =	sadd.s32 s9, s13  }
0x11: {  	s8 =	sadd.s32 s8, s1;
	s7 =	sadd.s32 $0xF7A600, s7;
	[dreg:$0x6] =	wrdreg s17  }
0x12: {  	s5 =	sadd.s32 $0x4300, s1;
	s15 =	sadd.s32 $0x1F800, s8;
	[dreg:$0x3] =	wrdreg s7  }
0x13: {  	s6 =	sshrl.u32 s6, $0x3;
	s18 =	sadd.s32 $0x1F880, s8;
	[dreg:$0x5] =	wrdreg s15  }
0x14: {  	s19 =	sadd.s32 $0x1F900, s8;
	s20 =	sadd.s32 $0x1F980, s8;
	[dreg:$0x7] =	wrdreg s18  }
0x15: {  	s21 =	sadd.s32 $0x1FA00, s8;
	s22 =	sadd.s32 $0x1FA80, s8;
	[dreg:$0x8] =	wrdreg s19  }
0x16: {  	s23 =	sadd.s32 s9, s6;
	s6 =	sadd.s32 $0x4400, s1;
	[dreg:$0x9] =	wrdreg s20  }
0x17: {  	s9 =	simm.s32 $0x4;
	s17 =	simm.s32 $0xD380;
	[dreg:$0xa] =	wrdreg s21  }
0x18: {  	[dreg:$0xb] =	wrdreg s22;
	s8 =	sadd.s32 $0x1C00, s23;
	s7 =	sadd.s32 $0x4500, s1  }
0x19: {  	v2 =	vlaneseq.u32;
	s23 =	simm.s32 $0x1;
	s18 =	simm.s32 $0xD780;
	s19 =	simm.s32 $0xDF80  }
0x1a: {  	vm0 =	vmmov $0xffff;
	vm1 =	vmmov $0xff;
	v1 =	vshrl.u32 v2, $0x3;
	s20 =	simm.s32 $0xEF80;
	s21 =	simm.s32 $0xF380;
	s22 =	simm.s32 $0xFB80  }
0x1b: {  	v0 =	vand.u32 $0x7, v2;
	v2 =	vor.u32 $0x8, v2;
	v1 =	vmul.u32 $0x8, v1;
	s1 =	simm.s32 $0x380;
	[dreg:$0xc] =	wrdreg s8;
	s8 =	smax.u32 s0, $0x1  }
.LBB2_1:
0x1c: {  	s29 =	rddreg [dreg:$0x3]  }
0x1d: {  	[tilespmem:s2], [sflag:$0x4] =	stream.linear.gather [hbm4b:s29+s2], $0x300, $0x38;
	[tilespmem:$0x16380] =	vst v63  }
0x1e: {  	_ =	swait.ge [sflag:s9], $0x300  }
0x1f: {  	s0 =	rddreg [dreg:$0x4];
	[sflag:s9] =	ssyncset.done $0x0  }
0x20: {  	s30 =	rddreg [dreg:$0xd];
	[sflag:s9] =	ssyncadd.s32 $0xFFFFFD00  }
0x21: {  	[tilespmem:s30], [sflag:$0x4] =	stream.linear.gather [hbm4b:s0+s2], $0x80, $0x38;
	[tilespmem:$0x16380] =	vst v63  }
0x22: {  	_ =	swait.ge [sflag:s9], $0x80  }
0x23: {  	[sflag:s9] =	ssyncset.done $0x0  }
0x24: {  	[sflag:s9] =	ssyncadd.s32 $0xFFFFFF80  }
0x25: {  	v3 =	vld [tilespmem:$0x300];
	_ =	sdelay $0x4  }
0x26: {  	v4 =	vshrl.u32 v3, $0x3  }
0x27: {  	v4 =	vmul.u32 $0x38, v4  }
0x28: {  	v3 =	vand.u32 $0x7, v3  }
0x29: {  	v3 =	vor.u32 v3, v4  }
0x2a: {  	v4 =	vperm.xlane v3, v0;
	_ =	sdelay $0x1  }
0x2b: {  	v4 =	vadd.s32 v1, v4;
	_ =	sdelay $0x3  }
0x2c: {  	s0 =	simm.s32 $0x8380  }
0x2d: {  	[tilespmem:s0], [sflag:$0x3] =	stream.indirect_vreg.gather [hbm4b:s4+s2], $0x80, v4, vm0, $0xb8;
	[tilespmem:$0x16380] =	vst v63  }
0x2e: {  	s30 =	simm.s32 $0x8B80;
	v3 =	vperm.xlane v3, v2  }
0x2f: {  	[tilespmem:s30], [sflag:$0x3] =	stream.indirect_vreg.gather [hbm4b:s5+s2], $0x80, v4, vm0, $0xb8;
	[tilespmem:$0x16380] =	vst v63  }
0x30: {  	v3 =	vadd.s32 v1, v3  }
0x31: {  	[tilespmem:s31], [sflag:$0x3] =	stream.indirect_vreg.gather [hbm4b:s6+s2], $0x80, v4, vm0, $0xb8;
	[tilespmem:$0x16380] =	vst v63  }
0x32: {  	s13 =	simm.s32 $0x9B80  }
0x33: {  	[tilespmem:s13], [sflag:$0x3] =	stream.indirect_vreg.gather [hbm4b:s7+s2], $0x80, v4, vm1, $0xb8;
	[tilespmem:$0x16380] =	vst v63  }
0x34: {  	s15 =	simm.s32 $0x9F80  }
0x35: {  	[tilespmem:s15], [sflag:$0x3] =	stream.indirect_vreg.gather [hbm4b:s4+s2], $0x80, v3, vm0, $0xb8;
	[tilespmem:$0x16380] =	vst v63  }
0x36: {  	s29 =	simm.s32 $0xA780  }
0x37: {  	[tilespmem:s29], [sflag:$0x3] =	stream.indirect_vreg.gather [hbm4b:s5+s2], $0x80, v3, vm0, $0xb8;
	[tilespmem:$0x16380] =	vst v63  }
0x38: {  	s13 =	simm.s32 $0xAF80  }
0x39: {  	[tilespmem:s13], [sflag:$0x3] =	stream.indirect_vreg.gather [hbm4b:s6+s2], $0x80, v3, vm0, $0xb8;
	[tilespmem:$0x16380] =	vst v63  }
0x3a: {  	s15 =	simm.s32 $0xB780  }
0x3b: {  	[tilespmem:s15], [sflag:$0x3] =	stream.indirect_vreg.gather [hbm4b:s7+s2], $0x80, v3, vm1, $0xb8;
	[tilespmem:$0x16380] =	vst v63  }
0x3c: {  	v3 =	vld [tilespmem:$0x310];
	_ =	sdelay $0x4  }
0x3d: {  	v57 =	vshrl.u32 v3, $0x3  }
0x3e: {  	v4 =	vmul.u32 $0x38, v57  }
0x3f: {  	v3 =	vand.u32 $0x7, v3  }
0x40: {  	v3 =	vor.u32 v3, v4  }
0x41: {  	v4 =	vperm.xlane v3, v0;
	_ =	sdelay $0x1  }
0x42: {  	v4 =	vadd.s32 v1, v4;
	_ =	sdelay $0x3  }
0x43: {  	s29 =	simm.s32 $0xBB80  }
0x44: {  	[tilespmem:s29], [sflag:$0x3] =	stream.indirect_vreg.gather [hbm4b:s4+s2], $0x80, v4, vm0, $0xb8;
	[tilespmem:$0x16380] =	vst v63  }
0x45: {  	s15 =	simm.s32 $0xC380;
	v3 =	vperm.xlane v3, v2  }
0x46: {  	[tilespmem:s15], [sflag:$0x3] =	stream.indirect_vreg.gather [hbm4b:s5+s2], $0x80, v4, vm0, $0xb8;
	[tilespmem:$0x16380] =	vst v63  }
0x47: {  	v3 =	vadd.s32 v1, v3  }
0x48: {  	[tilespmem:s16], [sflag:$0x3] =	stream.indirect_vreg.gather [hbm4b:s6+s2], $0x80, v4, vm0, $0xb8;
	[tilespmem:$0x16380] =	vst v63  }
0x49: {  	_ = 	snop  }
0x4a: {  	[tilespmem:s17], [sflag:$0x3] =	stream.indirect_vreg.gather [hbm4b:s7+s2], $0x80, v4, vm1, $0xb8;
	[tilespmem:$0x16380] =	vst v63  }
0x4b: {  	_ = 	snop  }
0x4c: {  	[tilespmem:s18], [sflag:$0x3] =	stream.indirect_vreg.gather [hbm4b:s4+s2], $0x80, v3, vm0, $0xb8;
	[tilespmem:$0x16380] =	vst v63  }
0x4d: {  	_ = 	snop  }
0x4e: {  	[tilespmem:s19], [sflag:$0x3] =	stream.indirect_vreg.gather [hbm4b:s5+s2], $0x80, v3, vm0, $0xb8;
	[tilespmem:$0x16380] =	vst v63  }
0x4f: {  	s13 =	simm.s32 $0xE780  }
0x50: {  	[tilespmem:s13], [sflag:$0x3] =	stream.indirect_vreg.gather [hbm4b:s6+s2], $0x80, v3, vm0, $0xb8;
	[tilespmem:$0x16380] =	vst v63  }
0x51: {  	_ = 	snop  }
0x52: {  	[tilespmem:s20], [sflag:$0x3] =	stream.indirect_vreg.gather [hbm4b:s7+s2], $0x80, v3, vm1, $0xb8;
	[tilespmem:$0x16380] =	vst v63  }
0x53: {  	v3 =	vld [tilespmem:$0x320];
	_ =	sdelay $0x4  }
0x54: {  	v58 =	vshrl.u32 v3, $0x3  }
0x55: {  	v4 =	vmul.u32 $0x38, v58  }
0x56: {  	v3 =	vand.u32 $0x7, v3  }
0x57: {  	v3 =	vor.u32 v3, v4  }
0x58: {  	v4 =	vperm.xlane v3, v0;
	_ =	sdelay $0x1  }
0x59: {  	v4 =	vadd.s32 v1, v4;
	_ =	sdelay $0x4  }
0x5a: {  	[tilespmem:s21], [sflag:$0x3] =	stream.indirect_vreg.gather [hbm4b:s4+s2], $0x80, v4, vm0, $0xb8;
	[tilespmem:$0x16380] =	vst v63  }
0x5b: {  	v3 =	vperm.xlane v3, v2  }
0x5c: {  	[tilespmem:s22], [sflag:$0x3] =	stream.indirect_vreg.gather [hbm4b:s5+s2], $0x80, v4, vm0, $0xb8;
	[tilespmem:$0x16380] =	vst v63  }
0x5d: {  	v3 =	vadd.s32 v1, v3  }
0x5e: {  	[tilespmem:s24], [sflag:$0x3] =	stream.indirect_vreg.gather [hbm4b:s6+s2], $0x80, v4, vm0, $0xb8;
	[tilespmem:$0x16380] =	vst v63  }
0x5f: {  	_ = 	snop  }
0x60: {  	[tilespmem:s25], [sflag:$0x3] =	stream.indirect_vreg.gather [hbm4b:s7+s2], $0x80, v4, vm1, $0xb8;
	[tilespmem:$0x16380] =	vst v63  }
0x61: {  	_ = 	snop  }
0x62: {  	[tilespmem:s26], [sflag:$0x3] =	stream.indirect_vreg.gather [hbm4b:s4+s2], $0x80, v3, vm0, $0xb8;
	[tilespmem:$0x16380] =	vst v63  }
0x63: {  	s29 =	simm.s32 $0x11780  }
0x64: {  	[tilespmem:s29], [sflag:$0x3] =	stream.indirect_vreg.gather [hbm4b:s5+s2], $0x80, v3, vm0, $0xb8;
	[tilespmem:$0x16380] =	vst v63  }
0x65: {  	s13 =	simm.s32 $0x11F80  }
0x66: {  	[tilespmem:s13], [sflag:$0x3] =	stream.indirect_vreg.gather [hbm4b:s6+s2], $0x80, v3, vm0, $0xb8;
	[tilespmem:$0x16380] =	vst v63  }
0x67: {  	s29 =	simm.s32 $0x12780  }
0x68: {  	[tilespmem:s29], [sflag:$0x3] =	stream.indirect_vreg.gather [hbm4b:s7+s2], $0x80, v3, vm1, $0xb8;
	[tilespmem:$0x16380] =	vst v63  }
0x69: {  	v3 =	vld [tilespmem:$0x330];
	_ =	sdelay $0x4  }
0x6a: {  	v59 =	vshrl.u32 v3, $0x3  }
0x6b: {  	v4 =	vmul.u32 $0x38, v59  }
0x6c: {  	v3 =	vand.u32 $0x7, v3  }
0x6d: {  	v3 =	vor.u32 v3, v4  }
0x6e: {  	v4 =	vperm.xlane v3, v0;
	_ =	sdelay $0x1  }
0x6f: {  	v4 =	vadd.s32 v1, v4;
	_ =	sdelay $0x3  }
0x70: {  	s13 =	simm.s32 $0x12B80  }
0x71: {  	[tilespmem:s13], [sflag:$0x3] =	stream.indirect_vreg.gather [hbm4b:s4+s2], $0x80, v4, vm0, $0xb8;
	[tilespmem:$0x16380] =	vst v63  }
0x72: {  	s29 =	simm.s32 $0x13380;
	v3 =	vperm.xlane v3, v2  }
0x73: {  	[tilespmem:s29], [sflag:$0x3] =	stream.indirect_vreg.gather [hbm4b:s5+s2], $0x80, v4, vm0, $0xb8;
	[tilespmem:$0x16380] =	vst v63  }
0x74: {  	v3 =	vadd.s32 v1, v3;
	s13 =	simm.s32 $0x13B80  }
0x75: {  	[tilespmem:s13], [sflag:$0x3] =	stream.indirect_vreg.gather [hbm4b:s6+s2], $0x80, v4, vm0, $0xb8;
	[tilespmem:$0x16380] =	vst v63  }
0x76: {  	s29 =	simm.s32 $0x14380  }
0x77: {  	[tilespmem:s29], [sflag:$0x3] =	stream.indirect_vreg.gather [hbm4b:s7+s2], $0x80, v4, vm1, $0xb8;
	[tilespmem:$0x16380] =	vst v63  }
0x78: {  	s13 =	simm.s32 $0x14780  }
0x79: {  	[tilespmem:s13], [sflag:$0x3] =	stream.indirect_vreg.gather [hbm4b:s4+s2], $0x80, v3, vm0, $0xb8;
	[tilespmem:$0x16380] =	vst v63  }
0x7a: {  	s29 =	simm.s32 $0x14F80  }
0x7b: {  	[tilespmem:s29], [sflag:$0x3] =	stream.indirect_vreg.gather [hbm4b:s5+s2], $0x80, v3, vm0, $0xb8;
	[tilespmem:$0x16380] =	vst v63  }
0x7c: {  	s13 =	simm.s32 $0x15780  }
0x7d: {  	[tilespmem:s13], [sflag:$0x3] =	stream.indirect_vreg.gather [hbm4b:s6+s2], $0x80, v3, vm0, $0xb8;
	[tilespmem:$0x16380] =	vst v63  }
0x7e: {  	s29 =	simm.s32 $0x15F80  }
0x7f: {  	[tilespmem:s29], [sflag:$0x3] =	stream.indirect_vreg.gather [hbm4b:s7+s2], $0x80, v3, vm1, $0xb8;
	[tilespmem:$0x16380] =	vst v63  }
0x80: {  	s0 =	simm.s32 $0x80  }
0x81: {  	[tilespmem:s1], [sflag:$0x1] =	stream.indirect.gather [hbm4b:s14+s0], $0x80, s2, s0, $0xb8;
	[tilespmem:$0x16380] =	vst v63  }
0x82: {  	_ = 	snop  }
0x83: {  	[tilespmem:s3], [sflag:$0x2] =	stream.indirect.gather [hbm4b:s14+s0], $0x80, s0, s0, $0xb8;
	[tilespmem:$0x16380] =	vst v63  }
0x84: {  	_ =	swait.ge [sflag:s23], $0x4000  }
0x85: {  	[sflag:s23] =	ssyncset.done $0x0  }
0x86: {  	s13 =	rddreg [dreg:$0x5];
	[sflag:s23] =	ssyncadd.s32 $0xFFFFC000  }
0x87: {  	[hbm4b:s13+s10] =	stream.strided.scatter [tilespmem:s1], [sflag:$0x4], $0x4000, s11, s10, $0x38;
	[tilespmem:$0x16380] =	vst v63  }
0x88: {  	_ =	swait.ge [sflag:s9], $0x4000  }
0x89: {  	[sflag:s9] =	ssyncset.done $0x0  }
0x8a: {  	s13 =	rddreg [dreg:$0xe];
	[sflag:s9] =	ssyncadd.s32 $0xFFFFC000  }
0x8b: {  	[tilespmem:s1], [sflag:$0x1] =	stream.indirect.gather [hbm4b:s14+s0], $0x80, s13, s0, $0xb8;
	[tilespmem:$0x16380] =	vst v63  }
0x8c: {  	_ =	swait.ge [sflag:s12], $0xE000  }
0x8d: {  	[sflag:s12] =	ssyncset.done $0x0  }
0x8e: {  	s13 =	simm.s32 $0x8380;
	s29 =	rddreg [dreg:$0x6];
	[sflag:s12] =	ssyncadd.s32 $0xFFFF2000  }
0x8f: {  	[hbm4b:s29+s2] =	stream.linear.scatter [tilespmem:s13], [sflag:$0x4], $0xE000, $0x38;
	[tilespmem:$0x16380] =	vst v63  }
0x90: {  	_ =	swait.ge [sflag:s9], $0xE000  }
0x91: {  	[sflag:s9] =	ssyncset.done $0x0  }
0x92: {  	[sflag:s9] =	ssyncadd.s32 $0xFFFF2000  }
0x93: {  	v3 =	vld [tilespmem:$0x340];
	_ =	sdelay $0x4  }
0x94: {  	v60 =	vshrl.u32 v3, $0x3  }
0x95: {  	v4 =	vmul.u32 $0x38, v60  }
0x96: {  	v3 =	vand.u32 $0x7, v3  }
0x97: {  	v3 =	vor.u32 v3, v4  }
0x98: {  	v4 =	vperm.xlane v3, v0;
	_ =	sdelay $0x1  }
0x99: {  	v4 =	vadd.s32 v1, v4;
	_ =	sdelay $0x4  }
0x9a: {  	[tilespmem:s13], [sflag:$0x3] =	stream.indirect_vreg.gather [hbm4b:s4+s2], $0x80, v4, vm0, $0xb8;
	[tilespmem:$0x16380] =	vst v63  }
0x9b: {  	v3 =	vperm.xlane v3, v2  }
0x9c: {  	[tilespmem:s30], [sflag:$0x3] =	stream.indirect_vreg.gather [hbm4b:s5+s2], $0x80, v4, vm0, $0xb8;
	[tilespmem:$0x16380] =	vst v63  }
0x9d: {  	v3 =	vadd.s32 v1, v3  }
0x9e: {  	[tilespmem:s31], [sflag:$0x3] =	stream.indirect_vreg.gather [hbm4b:s6+s2], $0x80, v4, vm0, $0xb8;
	[tilespmem:$0x16380] =	vst v63  }
0x9f: {  	s30 =	simm.s32 $0x9B80  }
0xa0: {  	[tilespmem:s30], [sflag:$0x3] =	stream.indirect_vreg.gather [hbm4b:s7+s2], $0x80, v4, vm1, $0xb8;
	[tilespmem:$0x16380] =	vst v63  }
0xa1: {  	s30 =	simm.s32 $0x9F80  }
0xa2: {  	[tilespmem:s30], [sflag:$0x3] =	stream.indirect_vreg.gather [hbm4b:s4+s2], $0x80, v3, vm0, $0xb8;
	[tilespmem:$0x16380] =	vst v63  }
0xa3: {  	s30 =	simm.s32 $0xA780  }
0xa4: {  	[tilespmem:s30], [sflag:$0x3] =	stream.indirect_vreg.gather [hbm4b:s5+s2], $0x80, v3, vm0, $0xb8;
	[tilespmem:$0x16380] =	vst v63  }
0xa5: {  	s30 =	simm.s32 $0xAF80  }
0xa6: {  	[tilespmem:s30], [sflag:$0x3] =	stream.indirect_vreg.gather [hbm4b:s6+s2], $0x80, v3, vm0, $0xb8;
	[tilespmem:$0x16380] =	vst v63  }
0xa7: {  	s30 =	simm.s32 $0xB780  }
0xa8: {  	[tilespmem:s30], [sflag:$0x3] =	stream.indirect_vreg.gather [hbm4b:s7+s2], $0x80, v3, vm1, $0xb8;
	[tilespmem:$0x16380] =	vst v63  }
0xa9: {  	v3 =	vld [tilespmem:$0x350];
	_ =	sdelay $0x4  }
0xaa: {  	v61 =	vshrl.u32 v3, $0x3  }
0xab: {  	v4 =	vmul.u32 $0x38, v61  }
0xac: {  	v3 =	vand.u32 $0x7, v3  }
0xad: {  	v3 =	vor.u32 v3, v4  }
0xae: {  	v4 =	vperm.xlane v3, v0;
	_ =	sdelay $0x1  }
0xaf: {  	v4 =	vadd.s32 v1, v4;
	_ =	sdelay $0x3  }
0xb0: {  	s30 =	simm.s32 $0xBB80  }
0xb1: {  	[tilespmem:s30], [sflag:$0x3] =	stream.indirect_vreg.gather [hbm4b:s4+s2], $0x80, v4, vm0, $0xb8;
	[tilespmem:$0x16380] =	vst v63  }
0xb2: {  	v3 =	vperm.xlane v3, v2  }
0xb3: {  	[tilespmem:s15], [sflag:$0x3] =	stream.indirect_vreg.gather [hbm4b:s5+s2], $0x80, v4, vm0, $0xb8;
	[tilespmem:$0x16380] =	vst v63  }
0xb4: {  	v3 =	vadd.s32 v1, v3  }
0xb5: {  	[tilespmem:s16], [sflag:$0x3] =	stream.indirect_vreg.gather [hbm4b:s6+s2], $0x80, v4, vm0, $0xb8;
	[tilespmem:$0x16380] =	vst v63  }
0xb6: {  	_ = 	snop  }
0xb7: {  	[tilespmem:s17], [sflag:$0x3] =	stream.indirect_vreg.gather [hbm4b:s7+s2], $0x80, v4, vm1, $0xb8;
	[tilespmem:$0x16380] =	vst v63  }
0xb8: {  	_ = 	snop  }
0xb9: {  	[tilespmem:s18], [sflag:$0x3] =	stream.indirect_vreg.gather [hbm4b:s4+s2], $0x80, v3, vm0, $0xb8;
	[tilespmem:$0x16380] =	vst v63  }
0xba: {  	_ = 	snop  }
0xbb: {  	[tilespmem:s19], [sflag:$0x3] =	stream.indirect_vreg.gather [hbm4b:s5+s2], $0x80, v3, vm0, $0xb8;
	[tilespmem:$0x16380] =	vst v63  }
0xbc: {  	s29 =	simm.s32 $0xE780  }
0xbd: {  	[tilespmem:s29], [sflag:$0x3] =	stream.indirect_vreg.gather [hbm4b:s6+s2], $0x80, v3, vm0, $0xb8;
	[tilespmem:$0x16380] =	vst v63  }
0xbe: {  	_ = 	snop  }
0xbf: {  	[tilespmem:s20], [sflag:$0x3] =	stream.indirect_vreg.gather [hbm4b:s7+s2], $0x80, v3, vm1, $0xb8;
	[tilespmem:$0x16380] =	vst v63  }
0xc0: {  	v3 =	vld [tilespmem:$0x360];
	_ =	sdelay $0x4  }
0xc1: {  	v62 =	vshrl.u32 v3, $0x3  }
0xc2: {  	v4 =	vmul.u32 $0x38, v62  }
0xc3: {  	v3 =	vand.u32 $0x7, v3  }
0xc4: {  	v3 =	vor.u32 v3, v4  }
0xc5: {  	v4 =	vperm.xlane v3, v0;
	_ =	sdelay $0x1  }
0xc6: {  	v4 =	vadd.s32 v1, v4;
	_ =	sdelay $0x4  }
0xc7: {  	[tilespmem:s21], [sflag:$0x3] =	stream.indirect_vreg.gather [hbm4b:s4+s2], $0x80, v4, vm0, $0xb8;
	[tilespmem:$0x16380] =	vst v63  }
0xc8: {  	v3 =	vperm.xlane v3, v2  }
0xc9: {  	[tilespmem:s22], [sflag:$0x3] =	stream.indirect_vreg.gather [hbm4b:s5+s2], $0x80, v4, vm0, $0xb8;
	[tilespmem:$0x16380] =	vst v63  }
0xca: {  	v3 =	vadd.s32 v1, v3  }
0xcb: {  	[tilespmem:s24], [sflag:$0x3] =	stream.indirect_vreg.gather [hbm4b:s6+s2], $0x80, v4, vm0, $0xb8;
	[tilespmem:$0x16380] =	vst v63  }
0xcc: {  	_ = 	snop  }
0xcd: {  	[tilespmem:s25], [sflag:$0x3] =	stream.indirect_vreg.gather [hbm4b:s7+s2], $0x80, v4, vm1, $0xb8;
	[tilespmem:$0x16380] =	vst v63  }
0xce: {  	_ = 	snop  }
0xcf: {  	[tilespmem:s26], [sflag:$0x3] =	stream.indirect_vreg.gather [hbm4b:s4+s2], $0x80, v3, vm0, $0xb8;
	[tilespmem:$0x16380] =	vst v63  }
0xd0: {  	s30 =	simm.s32 $0x11780  }
0xd1: {  	[tilespmem:s30], [sflag:$0x3] =	stream.indirect_vreg.gather [hbm4b:s5+s2], $0x80, v3, vm0, $0xb8;
	[tilespmem:$0x16380] =	vst v63  }
0xd2: {  	s29 =	simm.s32 $0x11F80  }
0xd3: {  	[tilespmem:s29], [sflag:$0x3] =	stream.indirect_vreg.gather [hbm4b:s6+s2], $0x80, v3, vm0, $0xb8;
	[tilespmem:$0x16380] =	vst v63  }
0xd4: {  	s30 =	simm.s32 $0x12780  }
0xd5: {  	[tilespmem:s30], [sflag:$0x3] =	stream.indirect_vreg.gather [hbm4b:s7+s2], $0x80, v3, vm1, $0xb8;
	[tilespmem:$0x16380] =	vst v63  }
0xd6: {  	v3 =	vld [tilespmem:$0x370];
	_ =	sdelay $0x4  }
0xd7: {  	v63 =	vshrl.u32 v3, $0x3  }
0xd8: {  	v4 =	vmul.u32 $0x38, v63  }
0xd9: {  	v3 =	vand.u32 $0x7, v3  }
0xda: {  	v3 =	vor.u32 v3, v4  }
0xdb: {  	v4 =	vperm.xlane v3, v0;
	_ =	sdelay $0x1  }
0xdc: {  	v4 =	vadd.s32 v1, v4;
	_ =	sdelay $0x3  }
0xdd: {  	s29 =	simm.s32 $0x12B80  }
0xde: {  	[tilespmem:s29], [sflag:$0x3] =	stream.indirect_vreg.gather [hbm4b:s4+s2], $0x80, v4, vm0, $0xb8;
	[tilespmem:$0x16380] =	vst v63  }
0xdf: {  	s30 =	simm.s32 $0x13380;
	v3 =	vperm.xlane v3, v2  }
0xe0: {  	[tilespmem:s30], [sflag:$0x3] =	stream.indirect_vreg.gather [hbm4b:s5+s2], $0x80, v4, vm0, $0xb8;
	[tilespmem:$0x16380] =	vst v63  }
0xe1: {  	v3 =	vadd.s32 v1, v3;
	s29 =	simm.s32 $0x13B80  }
0xe2: {  	[tilespmem:s29], [sflag:$0x3] =	stream.indirect_vreg.gather [hbm4b:s6+s2], $0x80, v4, vm0, $0xb8;
	[tilespmem:$0x16380] =	vst v63  }
0xe3: {  	s30 =	simm.s32 $0x14380  }
0xe4: {  	[tilespmem:s30], [sflag:$0x3] =	stream.indirect_vreg.gather [hbm4b:s7+s2], $0x80, v4, vm1, $0xb8;
	[tilespmem:$0x16380] =	vst v63  }
0xe5: {  	s29 =	simm.s32 $0x14780  }
0xe6: {  	[tilespmem:s29], [sflag:$0x3] =	stream.indirect_vreg.gather [hbm4b:s4+s2], $0x80, v3, vm0, $0xb8;
	[tilespmem:$0x16380] =	vst v63  }
0xe7: {  	s30 =	simm.s32 $0x14F80  }
0xe8: {  	[tilespmem:s30], [sflag:$0x3] =	stream.indirect_vreg.gather [hbm4b:s5+s2], $0x80, v3, vm0, $0xb8;
	[tilespmem:$0x16380] =	vst v63  }
0xe9: {  	s29 =	simm.s32 $0x15780  }
0xea: {  	[tilespmem:s29], [sflag:$0x3] =	stream.indirect_vreg.gather [hbm4b:s6+s2], $0x80, v3, vm0, $0xb8;
	[tilespmem:$0x16380] =	vst v63  }
0xeb: {  	s30 =	simm.s32 $0x15F80  }
0xec: {  	[tilespmem:s30], [sflag:$0x3] =	stream.indirect_vreg.gather [hbm4b:s7+s2], $0x80, v3, vm1, $0xb8;
	[tilespmem:$0x16380] =	vst v63  }
0xed: {  	_ =	swait.ge [sflag:s28], $0x4000  }
0xee: {  	[sflag:s28] =	ssyncset.done $0x0  }
0xef: {  	s15 =	rddreg [dreg:$0x7];
	[sflag:s28] =	ssyncadd.s32 $0xFFFFC000  }
0xf0: {  	[hbm4b:s15+s10] =	stream.strided.scatter [tilespmem:s3], [sflag:$0x4], $0x4000, s11, s10, $0x38;
	[tilespmem:$0x16380] =	vst v63  }
0xf1: {  	_ =	swait.ge [sflag:s9], $0x4000  }
0xf2: {  	[sflag:s9] =	ssyncset.done $0x0  }
0xf3: {  	s30 =	rddreg [dreg:$0xf];
	[sflag:s9] =	ssyncadd.s32 $0xFFFFC000  }
0xf4: {  	[tilespmem:s3], [sflag:$0x2] =	stream.indirect.gather [hbm4b:s14+s0], $0x80, s30, s0, $0xb8;
	[tilespmem:$0x16380] =	vst v63  }
0xf5: {  	_ =	swait.ge [sflag:s23], $0x4000  }
0xf6: {  	[sflag:s23] =	ssyncset.done $0x0  }
0xf7: {  	s15 =	rddreg [dreg:$0x8];
	[sflag:s23] =	ssyncadd.s32 $0xFFFFC000  }
0xf8: {  	[hbm4b:s15+s10] =	stream.strided.scatter [tilespmem:s1], [sflag:$0x4], $0x4000, s11, s10, $0x38;
	[tilespmem:$0x16380] =	vst v63  }
0xf9: {  	_ =	swait.ge [sflag:s9], $0x4000  }
0xfa: {  	[sflag:s9] =	ssyncset.done $0x0  }
0xfb: {  	s30 =	rddreg [dreg:$0x10];
	[sflag:s9] =	ssyncadd.s32 $0xFFFFC000  }
0xfc: {  	[tilespmem:s1], [sflag:$0x1] =	stream.indirect.gather [hbm4b:s14+s0], $0x80, s30, s0, $0xb8;
	[tilespmem:$0x16380] =	vst v63  }
0xfd: {  	_ =	swait.ge [sflag:s28], $0x4000  }
0xfe: {  	[sflag:s28] =	ssyncset.done $0x0  }
0xff: {  	s15 =	rddreg [dreg:$0x9];
	[sflag:s28] =	ssyncadd.s32 $0xFFFFC000  }
0x100: {  	[hbm4b:s15+s10] =	stream.strided.scatter [tilespmem:s3], [sflag:$0x4], $0x4000, s11, s10, $0x38;
	[tilespmem:$0x16380] =	vst v63  }
0x101: {  	_ =	swait.ge [sflag:s9], $0x4000  }
0x102: {  	[sflag:s9] =	ssyncset.done $0x0  }
0x103: {  	s30 =	rddreg [dreg:$0x11];
	[sflag:s9] =	ssyncadd.s32 $0xFFFFC000  }
0x104: {  	[tilespmem:s3], [sflag:$0x2] =	stream.indirect.gather [hbm4b:s14+s0], $0x80, s30, s0, $0xb8;
	[tilespmem:$0x16380] =	vst v63  }
0x105: {  	_ =	swait.ge [sflag:s23], $0x4000  }
0x106: {  	[sflag:s23] =	ssyncset.done $0x0  }
0x107: {  	s0 =	rddreg [dreg:$0xa];
	[sflag:s23] =	ssyncadd.s32 $0xFFFFC000  }
0x108: {  	[hbm4b:s0+s10] =	stream.strided.scatter [tilespmem:s1], [sflag:$0x4], $0x4000, s11, s10, $0x38;
	[tilespmem:$0x16380] =	vst v63  }
0x109: {  	_ =	swait.ge [sflag:s9], $0x4000  }
0x10a: {  	[sflag:s9] =	ssyncset.done $0x0  }
0x10b: {  	[sflag:s9] =	ssyncadd.s32 $0xFFFFC000  }
0x10c: {  	_ =	swait.ge [sflag:s28], $0x4000  }
0x10d: {  	[sflag:s28] =	ssyncset.done $0x0  }
0x10e: {  	s15 =	rddreg [dreg:$0xb];
	[sflag:s28] =	ssyncadd.s32 $0xFFFFC000  }
0x10f: {  	[hbm4b:s15+s10] =	stream.strided.scatter [tilespmem:s3], [sflag:$0x4], $0x4000, s11, s10, $0x38;
	[tilespmem:$0x16380] =	vst v63  }
0x110: {  	_ =	swait.ge [sflag:s9], $0x4000  }
0x111: {  	[sflag:s9] =	ssyncset.done $0x0  }
0x112: {  	[sflag:s9] =	ssyncadd.s32 $0xFFFFC000  }
0x113: {  	_ =	swait.ge [sflag:s12], $0xE000  }
0x114: {  	p0 =	sne.s32 s8, $0x1;
	s13 =	simm.s32 $0x8380;
	[sflag:s12] =	ssyncset.done $0x0  }
.Ltmp0:
0x115: {  	s30 =	rddreg [dreg:$0xc];
	[sflag:s12] =	ssyncadd.s32 $0xFFFF2000;
	(pc) =	sbr.rel @p0 .LBB2_1-.Ltmp0, $4  }
0x116: {  	[hbm4b:s30+s2] =	stream.linear.scatter [tilespmem:s13], [sflag:$0x4], $0xE000, $0x38;
	[tilespmem:$0x16380] =	vst v63  }
0x117: {  	_ =	swait.ge [sflag:s9], $0xE000  }
0x118: {  	[sflag:s9] =	ssyncset.done $0x0  }
0x119: {  	s8 =	sadd.s32 $0xFFFFFFFF, s8;
	[sflag:s9] =	ssyncadd.s32 $0xFFFF2000  }
0x11a: {  	_ =	sfence.sel $0x180000  }
0x11b: {  	[bflag:$0x0] =	sbarrier.arrive $0xFFFF  }
0x11c: {  	_ =	strace $0x90000047  }
0x11d: {  	s0 =	stileid.u32;
	[bflag:$0x2] =	sbarrier.arrive $0xFFFF  }
0x11e: {  	p0 =	sne.s32 s0, $0x0;
	s0 =	rddreg [dreg:$0x2]  }
0x11f: {  	s0 =	sadd.s32 @!p0 $0x100000, s0  }
0x120: {  	[sflag:s0] =	ssyncadd.tile.s32 @!p0 $0x1;
	_ =	shalt  }
.Lfunc_end2:
_tile_overlayer_lowered:
.L_overlay_start_2:
0x121: {  	(tag) =	ssettag $0x2  }
0x122: {  	s0 =	rddreg [dreg:$0x0];
	s2 =	stileid.u32  }
0x123: {  	s1 =	rddreg [dreg:$0x1];
	p0 =	sne.s32 s2, $0x0  }
0x124: {  	s3 =	rddreg [dreg:$0x2];
	[bflag:$0x3] =	sbarrier.arrive $0xFFFF;
	s2 =	simm.s32 @!p0 $0x1C04  }
0x125: {  	[timem:s3], [sflag:s2] =	dma.local @!p0 [hbm:s0], s1  }
0x126: {  	s0 =	simm.s32 @!p0 $0x4  }
0x127: {  	_ =	swait.ge @!p0 [sflag:s0], s1  }
0x128: {  	s1 =	ssub.s32 @!p0 $0x0, s1;
	[sflag:s0] =	ssyncset.done @!p0 $0x0  }
0x129: {  	[sflag:s0] =	ssyncadd.s32 @!p0 s1  }
0x12a: {  	[bflag:$0x3] =	sbarrier.arrive $0xFFFF  }
0x12b: {  	_ =	shalt  }

</sc_bundles>
